<compile_context>
chip_gen: v7x
topology: tpu7x:2x2x1
jax: 0.10.2.dev20260603
libtpu: 0.0.44.dev20260713+nightly
codegen_flags: <defaults>
</compile_context>

<pallas_src>
import functools

import jax
import jax.numpy as jnp
from jax import lax
from jax.experimental import pallas as pl
from jax.experimental.pallas import tpu as pltpu
from jax.experimental.pallas import tpu_sc as plsc

_E = 327680
_D = 64
_LANES = 16
_NW = 32
_EPW = _E // _NW
_C = 256
_IPT = 128
_JPC = _C // _IPT
_NCHUNK = _EPW // _C


def _sigmoid(x):
    return 1.0 / (1.0 + jnp.exp(-x))


def _sc_body(src_hbm, dst_hbm, u_hbm, v_hbm, out_hbm,
             sidx, didx, ubuf0, vbuf0, ubuf1, vbuf1, obuf, sem0, sem1):
    nc = 2
    wid = lax.axis_index("s") * nc + lax.axis_index("c")

    pltpu.sync_copy(src_hbm.at[pl.ds(wid * _EPW, _EPW)], sidx)
    pltpu.sync_copy(dst_hbm.at[pl.ds(wid * _EPW, _EPW)], didx)

    iota = lax.iota(jnp.int32, _LANES)

    def fire(g, ubuf, vbuf, sem):
        for j in range(_JPC):
            i0 = g * _C + j * _IPT
            pltpu.make_async_copy(
                u_hbm.at[sidx.at[pl.ds(i0, _IPT)]],
                ubuf.at[pl.ds(j * _IPT, _IPT)], sem).start()
            pltpu.make_async_copy(
                v_hbm.at[didx.at[pl.ds(i0, _IPT)]],
                vbuf.at[pl.ds(j * _IPT, _IPT)], sem).start()

    def wait(g, ubuf, vbuf, sem):
        for j in range(_JPC):
            i0 = g * _C + j * _IPT
            pltpu.make_async_copy(
                u_hbm.at[sidx.at[pl.ds(i0, _IPT)]],
                ubuf.at[pl.ds(j * _IPT, _IPT)], sem).wait()
            pltpu.make_async_copy(
                v_hbm.at[didx.at[pl.ds(i0, _IPT)]],
                vbuf.at[pl.ds(j * _IPT, _IPT)], sem).wait()

    def compute(g, ubuf, vbuf):
        out_base = g * _C

        def grp_body(grp, _):
            rows = grp * _LANES + iota

            def d_body(t, acc):
                for k in range(4):
                    d = t * 4 + k
                    cols = (iota + d) & (_D - 1)
                    u = plsc.load_gather(ubuf, [rows, cols])
                    v = plsc.load_gather(vbuf, [rows, cols])
                    acc = acc + _sigmoid(u * v)
                return acc

            acc = lax.fori_loop(0, _D // 4, d_body,
                                jnp.zeros((_LANES,), jnp.float32))
            obuf[pl.ds(out_base + grp * _LANES, _LANES)] = acc
            return 0

        lax.fori_loop(0, _C // _LANES, grp_body, 0)

    fire(0, ubuf0, vbuf0, sem0)

    def pair_body(gp, _):
        g0 = gp * 2
        fire(g0 + 1, ubuf1, vbuf1, sem1)
        wait(g0, ubuf0, vbuf0, sem0)
        compute(g0, ubuf0, vbuf0)

        @pl.when(g0 + 2 < _NCHUNK)
        def _():
            fire(g0 + 2, ubuf0, vbuf0, sem0)

        wait(g0 + 1, ubuf1, vbuf1, sem1)
        compute(g0 + 1, ubuf1, vbuf1)
        return 0

    lax.fori_loop(0, _NCHUNK // 2, pair_body, 0)

    pltpu.sync_copy(obuf, out_hbm.at[pl.ds(wid * _EPW, _EPW)])


def _sc_call(src, dst, u, v):
    f = pl.kernel(
        _sc_body,
        out_type=jax.ShapeDtypeStruct((_E,), jnp.float32),
        mesh=plsc.VectorSubcoreMesh(core_axis_name="c", subcore_axis_name="s"),
        compiler_params=pltpu.CompilerParams(
            needs_layout_passes=False, use_tc_tiling_on_sc=False),
        scratch_types=[
            pltpu.VMEM((_EPW,), jnp.int32),
            pltpu.VMEM((_EPW,), jnp.int32),
            pltpu.VMEM((_C, _D), jnp.float32),
            pltpu.VMEM((_C, _D), jnp.float32),
            pltpu.VMEM((_C, _D), jnp.float32),
            pltpu.VMEM((_C, _D), jnp.float32),
            pltpu.VMEM((_EPW,), jnp.float32),
            pltpu.SemaphoreType.DMA,
            pltpu.SemaphoreType.DMA,
        ],
    )
    return f(src, dst, u, v)


@jax.jit
def kernel(edge_index, U, V):
    src = edge_index[0].astype(jnp.int32)
    dst = edge_index[1].astype(jnp.int32)
    return _sc_call(src, dst, U, V)

# --- scband reference (transcript-rebuilt; emitter-appended) ---
"""Pipeline reference for scband-skip-gram-36344013259379 (READ-ONLY COPY).

The authoritative reference and input builder live on the scoring server;
editing this copy changes nothing except your own understanding.
"""

import jax, jax.numpy as jnp
import numpy as np

NUM_EMBEDDINGS = 100000
EMBED_DIM = 64
NUM_EDGES = 327680

def setup_inputs(seed: int = 0) -> dict:
    key = jax.random.key(seed)
    k1, k2, k3 = jax.random.split(key, 3)
    edge_index = jax.random.randint(k1, (2, NUM_EDGES), 0, NUM_EMBEDDINGS, dtype=jnp.int64 if jax.config.jax_enable_x64 else jnp.int32)
    U = jax.random.normal(k2, (NUM_EMBEDDINGS, EMBED_DIM), dtype=jnp.float32)
    V = jax.random.normal(k3, (NUM_EMBEDDINGS, EMBED_DIM), dtype=jnp.float32)
    return {"edge_index": edge_index, "U": U, "V": V}

def reference(edge_index, U, V):
    # skip_gram.decode: sigmoid(u[src] * v[dst]).sum(dim=-1)
    u_emb = jnp.take(U, edge_index[0], axis=0)   # [E, D] gather
    v_emb = jnp.take(V, edge_index[1], axis=0)   # [E, D] gather
    out = jax.nn.sigmoid(u_emb * v_emb).sum(axis=-1)  # [E]
    return out

if __name__ == "__main__":
    import jax
    _d = setup_inputs()
    print(jax.jit(kernel)(*tuple(_d.values())))

</pallas_src>

<mosaic_0001>
#map = affine_map<(d0, d1) -> (0)>
#map1 = affine_map<(d0, d1) -> (0, 0)>
module attributes {stable_mosaic.version = 14 : i64} {
  func.func @_sc_body(%arg0: i32, %arg1: i32, %arg2: memref<327680xi32, #tpu.memory_space<hbm>>, %arg3: memref<327680xi32, #tpu.memory_space<hbm>>, %arg4: memref<100000x64xf32, #tpu.memory_space<hbm>>, %arg5: memref<100000x64xf32, #tpu.memory_space<hbm>>, %arg6: memref<327680xf32, #tpu.memory_space<hbm>>, %arg7: memref<10240xi32, #tpu.memory_space<vmem>>, %arg8: memref<10240xi32, #tpu.memory_space<vmem>>, %arg9: memref<256x64xf32, #tpu.memory_space<vmem>>, %arg10: memref<256x64xf32, #tpu.memory_space<vmem>>, %arg11: memref<256x64xf32, #tpu.memory_space<vmem>>, %arg12: memref<256x64xf32, #tpu.memory_space<vmem>>, %arg13: memref<10240xf32, #tpu.memory_space<vmem>>, %arg14: memref<!tpu.dma_semaphore, #tpu.memory_space<semaphore_mem>>, %arg15: memref<!tpu.dma_semaphore, #tpu.memory_space<semaphore_mem>>) attributes {dimension_semantics = [#tpu.dimension_semantics<core_parallel>, #tpu.dimension_semantics<subcore_parallel>], iteration_bounds = array<i64: 2, 16>, scalar_prefetch = 0 : i64, scratch_operands = 9 : i64, tpu.core_type = #tpu.core_type<sc_vector_subcore>, window_params = [{transform_indices = #map}, {transform_indices = #map}, {transform_indices = #map1}, {transform_indices = #map1}, {transform_indices = #map}]} {
    %mul3A = arith.constant 2 : i32
    %mul3A_0 = arith.muli %arg1, %mul3A : i32
    %add3A = arith.addi %mul3A_0, %arg0 : i32
    %mul3A_1 = arith.constant 10240 : i32
    %mul3A_2 = arith.muli %add3A, %mul3A_1 : i32
    "tpu.region"() ({
      %run_scoped3A = tpu.sem_alloc : memref<!tpu.dma_semaphore, #tpu.memory_space<semaphore_mem>>
      %dma_start3A_44 = tpu.memref_slice %arg2[%mul3A_2] : memref<327680xi32, #tpu.memory_space<hbm>> -> memref<10240xi32, #tpu.memory_space<hbm>>
      %dma_start3A_45 = tpu.memref_slice %arg2[%mul3A_2] : memref<327680xi32, #tpu.memory_space<hbm>> -> memref<10240xi32, #tpu.memory_space<hbm>>
      tpu.enqueue_dma source(%dma_start3A_45 : memref<10240xi32, #tpu.memory_space<hbm>>) target(%arg7 : memref<10240xi32, #tpu.memory_space<vmem>>) target_semaphore(%run_scoped3A : memref<!tpu.dma_semaphore, #tpu.memory_space<semaphore_mem>>)
      %dma_wait3A = tpu.memref_slice %arg2[%mul3A_2] : memref<327680xi32, #tpu.memory_space<hbm>> -> memref<10240xi32, #tpu.memory_space<hbm>>
      %dma_wait3A_46 = tpu.memref_slice %arg2[%mul3A_2] : memref<327680xi32, #tpu.memory_space<hbm>> -> memref<10240xi32, #tpu.memory_space<hbm>>
      tpu.wait_dma2 semaphore(%run_scoped3A : memref<!tpu.dma_semaphore, #tpu.memory_space<semaphore_mem>>) src(%dma_wait3A_46 : memref<10240xi32, #tpu.memory_space<hbm>>) dst(%arg7 : memref<10240xi32, #tpu.memory_space<vmem>>)
      tpu.yield
    }) : () -> ()
    %mul3A_3 = arith.constant 10240 : i32
    %mul3A_4 = arith.muli %add3A, %mul3A_3 : i32
    "tpu.region"() ({
      %run_scoped3A = tpu.sem_alloc : memref<!tpu.dma_semaphore, #tpu.memory_space<semaphore_mem>>
      %dma_start3A_44 = tpu.memref_slice %arg3[%mul3A_4] : memref<327680xi32, #tpu.memory_space<hbm>> -> memref<10240xi32, #tpu.memory_space<hbm>>
      %dma_start3A_45 = tpu.memref_slice %arg3[%mul3A_4] : memref<327680xi32, #tpu.memory_space<hbm>> -> memref<10240xi32, #tpu.memory_space<hbm>>
      tpu.enqueue_dma source(%dma_start3A_45 : memref<10240xi32, #tpu.memory_space<hbm>>) target(%arg8 : memref<10240xi32, #tpu.memory_space<vmem>>) target_semaphore(%run_scoped3A : memref<!tpu.dma_semaphore, #tpu.memory_space<semaphore_mem>>)
      %dma_wait3A = tpu.memref_slice %arg3[%mul3A_4] : memref<327680xi32, #tpu.memory_space<hbm>> -> memref<10240xi32, #tpu.memory_space<hbm>>
      %dma_wait3A_46 = tpu.memref_slice %arg3[%mul3A_4] : memref<327680xi32, #tpu.memory_space<hbm>> -> memref<10240xi32, #tpu.memory_space<hbm>>
      tpu.wait_dma2 semaphore(%run_scoped3A : memref<!tpu.dma_semaphore, #tpu.memory_space<semaphore_mem>>) src(%dma_wait3A_46 : memref<10240xi32, #tpu.memory_space<hbm>>) dst(%arg8 : memref<10240xi32, #tpu.memory_space<vmem>>)
      tpu.yield
    }) : () -> ()
    %iota3A = tpu.iota {dimensions = array<i32: 0>} : vector<16xi32>
    %dma_start3A = arith.constant 0 : i32
    %dma_start3A_5 = arith.constant 0 : i32
    %dma_start3A_6 = tpu.memref_slice %arg9[%dma_start3A, %dma_start3A_5] : memref<256x64xf32, #tpu.memory_space<vmem>> -> memref<128x64xf32, #tpu.memory_space<vmem>>
    %dma_start3A_7 = arith.constant 0 : i32
    %dma_start3A_8 = tpu.memref_slice %arg7[%dma_start3A_7] : memref<10240xi32, #tpu.memory_space<vmem>> -> memref<128xi32, #tpu.memory_space<vmem>>
    %dma_start3A_9 = arith.constant 0 : i32
    %dma_start3A_10 = arith.constant 0 : i32
    %dma_start3A_11 = tpu.memref_slice %arg4[%dma_start3A_9, %dma_start3A_10] : memref<100000x64xf32, #tpu.memory_space<hbm>> -> memref<100000x64xf32, #tpu.memory_space<hbm>>
    tpu.enqueue_indirect_dma source(%dma_start3A_11 : memref<100000x64xf32, #tpu.memory_space<hbm>>) target(%dma_start3A_6 : memref<128x64xf32, #tpu.memory_space<vmem>>) offsets(%dma_start3A_8 : memref<128xi32, #tpu.memory_space<vmem>>) semaphore(%arg14 : memref<!tpu.dma_semaphore, #tpu.memory_space<semaphore_mem>>)
    %dma_start3A_12 = arith.constant 0 : i32
    %dma_start3A_13 = arith.constant 0 : i32
    %dma_start3A_14 = tpu.memref_slice %arg10[%dma_start3A_12, %dma_start3A_13] : memref<256x64xf32, #tpu.memory_space<vmem>> -> memref<128x64xf32, #tpu.memory_space<vmem>>
    %dma_start3A_15 = arith.constant 0 : i32
    %dma_start3A_16 = tpu.memref_slice %arg8[%dma_start3A_15] : memref<10240xi32, #tpu.memory_space<vmem>> -> memref<128xi32, #tpu.memory_space<vmem>>
    %dma_start3A_17 = arith.constant 0 : i32
    %dma_start3A_18 = arith.constant 0 : i32
    %dma_start3A_19 = tpu.memref_slice %arg5[%dma_start3A_17, %dma_start3A_18] : memref<100000x64xf32, #tpu.memory_space<hbm>> -> memref<100000x64xf32, #tpu.memory_space<hbm>>
    tpu.enqueue_indirect_dma source(%dma_start3A_19 : memref<100000x64xf32, #tpu.memory_space<hbm>>) target(%dma_start3A_14 : memref<128x64xf32, #tpu.memory_space<vmem>>) offsets(%dma_start3A_16 : memref<128xi32, #tpu.memory_space<vmem>>) semaphore(%arg14 : memref<!tpu.dma_semaphore, #tpu.memory_space<semaphore_mem>>)
    %dma_start3A_20 = arith.constant 128 : i32
    %dma_start3A_21 = arith.constant 0 : i32
    %dma_start3A_22 = tpu.memref_slice %arg9[%dma_start3A_20, %dma_start3A_21] : memref<256x64xf32, #tpu.memory_space<vmem>> -> memref<128x64xf32, #tpu.memory_space<vmem>>
    %dma_start3A_23 = arith.constant 128 : i32
    %dma_start3A_24 = tpu.memref_slice %arg7[%dma_start3A_23] : memref<10240xi32, #tpu.memory_space<vmem>> -> memref<128xi32, #tpu.memory_space<vmem>>
    %dma_start3A_25 = arith.constant 0 : i32
    %dma_start3A_26 = arith.constant 0 : i32
    %dma_start3A_27 = tpu.memref_slice %arg4[%dma_start3A_25, %dma_start3A_26] : memref<100000x64xf32, #tpu.memory_space<hbm>> -> memref<100000x64xf32, #tpu.memory_space<hbm>>
    tpu.enqueue_indirect_dma source(%dma_start3A_27 : memref<100000x64xf32, #tpu.memory_space<hbm>>) target(%dma_start3A_22 : memref<128x64xf32, #tpu.memory_space<vmem>>) offsets(%dma_start3A_24 : memref<128xi32, #tpu.memory_space<vmem>>) semaphore(%arg14 : memref<!tpu.dma_semaphore, #tpu.memory_space<semaphore_mem>>)
    %dma_start3A_28 = arith.constant 128 : i32
    %dma_start3A_29 = arith.constant 0 : i32
    %dma_start3A_30 = tpu.memref_slice %arg10[%dma_start3A_28, %dma_start3A_29] : memref<256x64xf32, #tpu.memory_space<vmem>> -> memref<128x64xf32, #tpu.memory_space<vmem>>
    %dma_start3A_31 = arith.constant 128 : i32
    %dma_start3A_32 = tpu.memref_slice %arg8[%dma_start3A_31] : memref<10240xi32, #tpu.memory_space<vmem>> -> memref<128xi32, #tpu.memory_space<vmem>>
    %dma_start3A_33 = arith.constant 0 : i32
    %dma_start3A_34 = arith.constant 0 : i32
    %dma_start3A_35 = tpu.memref_slice %arg5[%dma_start3A_33, %dma_start3A_34] : memref<100000x64xf32, #tpu.memory_space<hbm>> -> memref<100000x64xf32, #tpu.memory_space<hbm>>
    tpu.enqueue_indirect_dma source(%dma_start3A_35 : memref<100000x64xf32, #tpu.memory_space<hbm>>) target(%dma_start3A_30 : memref<128x64xf32, #tpu.memory_space<vmem>>) offsets(%dma_start3A_32 : memref<128xi32, #tpu.memory_space<vmem>>) semaphore(%arg14 : memref<!tpu.dma_semaphore, #tpu.memory_space<semaphore_mem>>)
    %scan3A = arith.constant 0 : i32
    %scan3A_36 = arith.constant 0 : i32
    %scan3A_37 = arith.constant 20 : i32
    %scan3A_38 = arith.addi %scan3A_36, %scan3A_37 : i32
    %scan3A_39 = arith.constant 1 : i32
    %scan3A_40 = scf.for %scan3A_44 = %scan3A_36 to %scan3A_38 step %scan3A_39 iter_args(%scan3A_45 = %scan3A) -> (i32)  : i32 {
      %mul3A_46 = arith.constant 2 : i32
      %mul3A_47 = arith.muli %scan3A_44, %mul3A_46 : i32
      %add3A_48 = arith.constant 1 : i32
      %add3A_49 = arith.addi %mul3A_47, %add3A_48 : i32
      %mul3A_50 = arith.constant 256 : i32
      %mul3A_51 = arith.muli %add3A_49, %mul3A_50 : i32
      %add3A_52 = arith.constant 0 : i32
      %add3A_53 = arith.addi %mul3A_51, %add3A_52 : i32
      %dma_start3A_54 = arith.constant 0 : i32
      %dma_start3A_55 = arith.constant 0 : i32
      %dma_start3A_56 = tpu.memref_slice %arg11[%dma_start3A_54, %dma_start3A_55] : memref<256x64xf32, #tpu.memory_space<vmem>> -> memref<128x64xf32, #tpu.memory_space<vmem>>
      %dma_start3A_57 = tpu.memref_slice %arg7[%add3A_53] : memref<10240xi32, #tpu.memory_space<vmem>> -> memref<128xi32, #tpu.memory_space<vmem>>
      %dma_start3A_58 = arith.constant 0 : i32
      %dma_start3A_59 = arith.constant 0 : i32
      %dma_start3A_60 = tpu.memref_slice %arg4[%dma_start3A_58, %dma_start3A_59] : memref<100000x64xf32, #tpu.memory_space<hbm>> -> memref<100000x64xf32, #tpu.memory_space<hbm>>
      tpu.enqueue_indirect_dma source(%dma_start3A_60 : memref<100000x64xf32, #tpu.memory_space<hbm>>) target(%dma_start3A_56 : memref<128x64xf32, #tpu.memory_space<vmem>>) offsets(%dma_start3A_57 : memref<128xi32, #tpu.memory_space<vmem>>) semaphore(%arg15 : memref<!tpu.dma_semaphore, #tpu.memory_space<semaphore_mem>>)
      %dma_start3A_61 = arith.constant 0 : i32
      %dma_start3A_62 = arith.constant 0 : i32
      %dma_start3A_63 = tpu.memref_slice %arg12[%dma_start3A_61, %dma_start3A_62] : memref<256x64xf32, #tpu.memory_space<vmem>> -> memref<128x64xf32, #tpu.memory_space<vmem>>
      %dma_start3A_64 = tpu.memref_slice %arg8[%add3A_53] : memref<10240xi32, #tpu.memory_space<vmem>> -> memref<128xi32, #tpu.memory_space<vmem>>
      %dma_start3A_65 = arith.constant 0 : i32
      %dma_start3A_66 = arith.constant 0 : i32
      %dma_start3A_67 = tpu.memref_slice %arg5[%dma_start3A_65, %dma_start3A_66] : memref<100000x64xf32, #tpu.memory_space<hbm>> -> memref<100000x64xf32, #tpu.memory_space<hbm>>
      tpu.enqueue_indirect_dma source(%dma_start3A_67 : memref<100000x64xf32, #tpu.memory_space<hbm>>) target(%dma_start3A_63 : memref<128x64xf32, #tpu.memory_space<vmem>>) offsets(%dma_start3A_64 : memref<128xi32, #tpu.memory_space<vmem>>) semaphore(%arg15 : memref<!tpu.dma_semaphore, #tpu.memory_space<semaphore_mem>>)
      %mul3A_68 = arith.constant 256 : i32
      %mul3A_69 = arith.muli %add3A_49, %mul3A_68 : i32
      %add3A_70 = arith.constant 128 : i32
      %add3A_71 = arith.addi %mul3A_69, %add3A_70 : i32
      %dma_start3A_72 = arith.constant 128 : i32
      %dma_start3A_73 = arith.constant 0 : i32
      %dma_start3A_74 = tpu.memref_slice %arg11[%dma_start3A_72, %dma_start3A_73] : memref<256x64xf32, #tpu.memory_space<vmem>> -> memref<128x64xf32, #tpu.memory_space<vmem>>
      %dma_start3A_75 = tpu.memref_slice %arg7[%add3A_71] : memref<10240xi32, #tpu.memory_space<vmem>> -> memref<128xi32, #tpu.memory_space<vmem>>
      %dma_start3A_76 = arith.constant 0 : i32
      %dma_start3A_77 = arith.constant 0 : i32
      %dma_start3A_78 = tpu.memref_slice %arg4[%dma_start3A_76, %dma_start3A_77] : memref<100000x64xf32, #tpu.memory_space<hbm>> -> memref<100000x64xf32, #tpu.memory_space<hbm>>
      tpu.enqueue_indirect_dma source(%dma_start3A_78 : memref<100000x64xf32, #tpu.memory_space<hbm>>) target(%dma_start3A_74 : memref<128x64xf32, #tpu.memory_space<vmem>>) offsets(%dma_start3A_75 : memref<128xi32, #tpu.memory_space<vmem>>) semaphore(%arg15 : memref<!tpu.dma_semaphore, #tpu.memory_space<semaphore_mem>>)
      %dma_start3A_79 = arith.constant 128 : i32
      %dma_start3A_80 = arith.constant 0 : i32
      %dma_start3A_81 = tpu.memref_slice %arg12[%dma_start3A_79, %dma_start3A_80] : memref<256x64xf32, #tpu.memory_space<vmem>> -> memref<128x64xf32, #tpu.memory_space<vmem>>
      %dma_start3A_82 = tpu.memref_slice %arg8[%add3A_71] : memref<10240xi32, #tpu.memory_space<vmem>> -> memref<128xi32, #tpu.memory_space<vmem>>
      %dma_start3A_83 = arith.constant 0 : i32
      %dma_start3A_84 = arith.constant 0 : i32
      %dma_start3A_85 = tpu.memref_slice %arg5[%dma_start3A_83, %dma_start3A_84] : memref<100000x64xf32, #tpu.memory_space<hbm>> -> memref<100000x64xf32, #tpu.memory_space<hbm>>
      tpu.enqueue_indirect_dma source(%dma_start3A_85 : memref<100000x64xf32, #tpu.memory_space<hbm>>) target(%dma_start3A_81 : memref<128x64xf32, #tpu.memory_space<vmem>>) offsets(%dma_start3A_82 : memref<128xi32, #tpu.memory_space<vmem>>) semaphore(%arg15 : memref<!tpu.dma_semaphore, #tpu.memory_space<semaphore_mem>>)
      %mul3A_86 = arith.constant 256 : i32
      %mul3A_87 = arith.muli %mul3A_47, %mul3A_86 : i32
      %add3A_88 = arith.constant 0 : i32
      %add3A_89 = arith.addi %mul3A_87, %add3A_88 : i32
      %dma_wait3A = arith.constant 0 : i32
      %dma_wait3A_90 = arith.constant 0 : i32
      %dma_wait3A_91 = tpu.memref_slice %arg9[%dma_wait3A, %dma_wait3A_90] : memref<256x64xf32, #tpu.memory_space<vmem>> -> memref<128x64xf32, #tpu.memory_space<vmem>>
      %dma_wait3A_92 = tpu.memref_slice %arg7[%add3A_89] : memref<10240xi32, #tpu.memory_space<vmem>> -> memref<128xi32, #tpu.memory_space<vmem>>
      %dma_wait3A_93 = arith.constant 0 : i32
      %dma_wait3A_94 = arith.constant 0 : i32
      %dma_wait3A_95 = tpu.memref_slice %arg4[%dma_wait3A_93, %dma_wait3A_94] : memref<100000x64xf32, #tpu.memory_space<hbm>> -> memref<100000x64xf32, #tpu.memory_space<hbm>>
      tpu.wait_indirect_dma semaphore(%arg14 : memref<!tpu.dma_semaphore, #tpu.memory_space<semaphore_mem>>) src(%dma_wait3A_95 : memref<100000x64xf32, #tpu.memory_space<hbm>>) dst(%dma_wait3A_91 : memref<128x64xf32, #tpu.memory_space<vmem>>)
      %dma_wait3A_96 = arith.constant 0 : i32
      %dma_wait3A_97 = arith.constant 0 : i32
      %dma_wait3A_98 = tpu.memref_slice %arg10[%dma_wait3A_96, %dma_wait3A_97] : memref<256x64xf32, #tpu.memory_space<vmem>> -> memref<128x64xf32, #tpu.memory_space<vmem>>
      %dma_wait3A_99 = tpu.memref_slice %arg8[%add3A_89] : memref<10240xi32, #tpu.memory_space<vmem>> -> memref<128xi32, #tpu.memory_space<vmem>>
      %dma_wait3A_100 = arith.constant 0 : i32
      %dma_wait3A_101 = arith.constant 0 : i32
      %dma_wait3A_102 = tpu.memref_slice %arg5[%dma_wait3A_100, %dma_wait3A_101] : memref<100000x64xf32, #tpu.memory_space<hbm>> -> memref<100000x64xf32, #tpu.memory_space<hbm>>
      tpu.wait_indirect_dma semaphore(%arg14 : memref<!tpu.dma_semaphore, #tpu.memory_space<semaphore_mem>>) src(%dma_wait3A_102 : memref<100000x64xf32, #tpu.memory_space<hbm>>) dst(%dma_wait3A_98 : memref<128x64xf32, #tpu.memory_space<vmem>>)
      %mul3A_103 = arith.constant 256 : i32
      %mul3A_104 = arith.muli %mul3A_47, %mul3A_103 : i32
      %add3A_105 = arith.constant 128 : i32
      %add3A_106 = arith.addi %mul3A_104, %add3A_105 : i32
      %dma_wait3A_107 = arith.constant 128 : i32
      %dma_wait3A_108 = arith.constant 0 : i32
      %dma_wait3A_109 = tpu.memref_slice %arg9[%dma_wait3A_107, %dma_wait3A_108] : memref<256x64xf32, #tpu.memory_space<vmem>> -> memref<128x64xf32, #tpu.memory_space<vmem>>
      %dma_wait3A_110 = tpu.memref_slice %arg7[%add3A_106] : memref<10240xi32, #tpu.memory_space<vmem>> -> memref<128xi32, #tpu.memory_space<vmem>>
      %dma_wait3A_111 = arith.constant 0 : i32
      %dma_wait3A_112 = arith.constant 0 : i32
      %dma_wait3A_113 = tpu.memref_slice %arg4[%dma_wait3A_111, %dma_wait3A_112] : memref<100000x64xf32, #tpu.memory_space<hbm>> -> memref<100000x64xf32, #tpu.memory_space<hbm>>
      tpu.wait_indirect_dma semaphore(%arg14 : memref<!tpu.dma_semaphore, #tpu.memory_space<semaphore_mem>>) src(%dma_wait3A_113 : memref<100000x64xf32, #tpu.memory_space<hbm>>) dst(%dma_wait3A_109 : memref<128x64xf32, #tpu.memory_space<vmem>>)
      %dma_wait3A_114 = arith.constant 128 : i32
      %dma_wait3A_115 = arith.constant 0 : i32
      %dma_wait3A_116 = tpu.memref_slice %arg10[%dma_wait3A_114, %dma_wait3A_115] : memref<256x64xf32, #tpu.memory_space<vmem>> -> memref<128x64xf32, #tpu.memory_space<vmem>>
      %dma_wait3A_117 = tpu.memref_slice %arg8[%add3A_106] : memref<10240xi32, #tpu.memory_space<vmem>> -> memref<128xi32, #tpu.memory_space<vmem>>
      %dma_wait3A_118 = arith.constant 0 : i32
      %dma_wait3A_119 = arith.constant 0 : i32
      %dma_wait3A_120 = tpu.memref_slice %arg5[%dma_wait3A_118, %dma_wait3A_119] : memref<100000x64xf32, #tpu.memory_space<hbm>> -> memref<100000x64xf32, #tpu.memory_space<hbm>>
      tpu.wait_indirect_dma semaphore(%arg14 : memref<!tpu.dma_semaphore, #tpu.memory_space<semaphore_mem>>) src(%dma_wait3A_120 : memref<100000x64xf32, #tpu.memory_space<hbm>>) dst(%dma_wait3A_116 : memref<128x64xf32, #tpu.memory_space<vmem>>)
      %mul3A_121 = arith.constant 256 : i32
      %mul3A_122 = arith.muli %mul3A_47, %mul3A_121 : i32
      %scan3A_123 = arith.constant 0 : i32
      %scan3A_124 = arith.constant 0 : i32
      %scan3A_125 = arith.constant 16 : i32
      %scan3A_126 = arith.addi %scan3A_124, %scan3A_125 : i32
      %scan3A_127 = arith.constant 1 : i32
      %scan3A_128 = scf.for %scan3A_184 = %scan3A_124 to %scan3A_126 step %scan3A_127 iter_args(%scan3A_185 = %scan3A_123) -> (i32)  : i32 {
        %mul3A_186 = arith.constant 16 : i32
        %mul3A_187 = arith.muli %scan3A_184, %mul3A_186 : i32
        %add3A_188 = vector.broadcast %mul3A_187 : i32 to vector<16xi32>
        %add3A_189 = arith.addi %add3A_188, %iota3A : vector<16xi32>
        %broadcast_in_dim3A = arith.constant 0.000000e+00 : f32
        %broadcast_in_dim3A_190 = vector.broadcast %broadcast_in_dim3A : f32 to vector<16xf32>
        %scan3A_191 = arith.constant 0 : i32
        %scan3A_192 = arith.constant 16 : i32
        %scan3A_193 = arith.addi %scan3A_191, %scan3A_192 : i32
        %scan3A_194 = arith.constant 1 : i32
        %scan3A_195 = scf.for %scan3A_202 = %scan3A_191 to %scan3A_193 step %scan3A_194 iter_args(%scan3A_203 = %broadcast_in_dim3A_190) -> (vector<16xf32>)  : i32 {
          %mul3A_204 = arith.constant 4 : i32
          %mul3A_205 = arith.muli %scan3A_202, %mul3A_204 : i32
          %add3A_206 = arith.constant 0 : i32
          %add3A_207 = arith.addi %mul3A_205, %add3A_206 : i32
          %add3A_208 = vector.broadcast %add3A_207 : i32 to vector<16xi32>
          %add3A_209 = arith.addi %iota3A, %add3A_208 : vector<16xi32>
          %and3A = arith.constant 63 : i32
          %and3A_210 = vector.broadcast %and3A : i32 to vector<16xi32>
          %and3A_211 = arith.andi %add3A_209, %and3A_210 : vector<16xi32>
          %gather3A = tpu.vector_load_idx %arg9[%add3A_189, %and3A_211] : memref<256x64xf32, #tpu.memory_space<vmem>>[vector<16xi32>, vector<16xi32>], vector<16xf32>,
          %gather3A_212 = tpu.vector_load_idx %arg10[%add3A_189, %and3A_211] : memref<256x64xf32, #tpu.memory_space<vmem>>[vector<16xi32>, vector<16xi32>], vector<16xf32>,
          %mul3A_213 = arith.mulf %gather3A, %gather3A_212 : vector<16xf32>
          %neg3A = arith.constant 0.000000e+00 : f32
          %neg3A_214 = vector.broadcast %neg3A : f32 to vector<16xf32>
          %neg3A_215 = arith.subf %neg3A_214, %mul3A_213 : vector<16xf32>
          %exp3A = math.exp %neg3A_215 : vector<16xf32>
          %add3A_216 = arith.constant 1.000000e+00 : f32
          %add3A_217 = vector.broadcast %add3A_216 : f32 to vector<16xf32>
          %add3A_218 = arith.addf %add3A_217, %exp3A : vector<16xf32>
          %div3A = arith.constant 1.000000e+00 : f32
          %div3A_219 = vector.broadcast %div3A : f32 to vector<16xf32>
          %div3A_220 = arith.divf %div3A_219, %add3A_218 : vector<16xf32>
          %add3A_221 = arith.addf %scan3A_203, %div3A_220 : vector<16xf32>
          %mul3A_222 = arith.constant 4 : i32
          %mul3A_223 = arith.muli %scan3A_202, %mul3A_222 : i32
          %add3A_224 = arith.constant 1 : i32
          %add3A_225 = arith.addi %mul3A_223, %add3A_224 : i32
          %add3A_226 = vector.broadcast %add3A_225 : i32 to vector<16xi32>
          %add3A_227 = arith.addi %iota3A, %add3A_226 : vector<16xi32>
          %and3A_228 = arith.constant 63 : i32
          %and3A_229 = vector.broadcast %and3A_228 : i32 to vector<16xi32>
          %and3A_230 = arith.andi %add3A_227, %and3A_229 : vector<16xi32>
          %gather3A_231 = tpu.vector_load_idx %arg9[%add3A_189, %and3A_230] : memref<256x64xf32, #tpu.memory_space<vmem>>[vector<16xi32>, vector<16xi32>], vector<16xf32>,
          %gather3A_232 = tpu.vector_load_idx %arg10[%add3A_189, %and3A_230] : memref<256x64xf32, #tpu.memory_space<vmem>>[vector<16xi32>, vector<16xi32>], vector<16xf32>,
          %mul3A_233 = arith.mulf %gather3A_231, %gather3A_232 : vector<16xf32>
          %neg3A_234 = arith.constant 0.000000e+00 : f32
          %neg3A_235 = vector.broadcast %neg3A_234 : f32 to vector<16xf32>
          %neg3A_236 = arith.subf %neg3A_235, %mul3A_233 : vector<16xf32>
          %exp3A_237 = math.exp %neg3A_236 : vector<16xf32>
          %add3A_238 = arith.constant 1.000000e+00 : f32
          %add3A_239 = vector.broadcast %add3A_238 : f32 to vector<16xf32>
          %add3A_240 = arith.addf %add3A_239, %exp3A_237 : vector<16xf32>
          %div3A_241 = arith.constant 1.000000e+00 : f32
          %div3A_242 = vector.broadcast %div3A_241 : f32 to vector<16xf32>
          %div3A_243 = arith.divf %div3A_242, %add3A_240 : vector<16xf32>
          %add3A_244 = arith.addf %add3A_221, %div3A_243 : vector<16xf32>
          %mul3A_245 = arith.constant 4 : i32
          %mul3A_246 = arith.muli %scan3A_202, %mul3A_245 : i32
          %add3A_247 = arith.constant 2 : i32
          %add3A_248 = arith.addi %mul3A_246, %add3A_247 : i32
          %add3A_249 = vector.broadcast %add3A_248 : i32 to vector<16xi32>
          %add3A_250 = arith.addi %iota3A, %add3A_249 : vector<16xi32>
          %and3A_251 = arith.constant 63 : i32
          %and3A_252 = vector.broadcast %and3A_251 : i32 to vector<16xi32>
          %and3A_253 = arith.andi %add3A_250, %and3A_252 : vector<16xi32>
          %gather3A_254 = tpu.vector_load_idx %arg9[%add3A_189, %and3A_253] : memref<256x64xf32, #tpu.memory_space<vmem>>[vector<16xi32>, vector<16xi32>], vector<16xf32>,
          %gather3A_255 = tpu.vector_load_idx %arg10[%add3A_189, %and3A_253] : memref<256x64xf32, #tpu.memory_space<vmem>>[vector<16xi32>, vector<16xi32>], vector<16xf32>,
          %mul3A_256 = arith.mulf %gather3A_254, %gather3A_255 : vector<16xf32>
          %neg3A_257 = arith.constant 0.000000e+00 : f32
          %neg3A_258 = vector.broadcast %neg3A_257 : f32 to vector<16xf32>
          %neg3A_259 = arith.subf %neg3A_258, %mul3A_256 : vector<16xf32>
          %exp3A_260 = math.exp %neg3A_259 : vector<16xf32>
          %add3A_261 = arith.constant 1.000000e+00 : f32
          %add3A_262 = vector.broadcast %add3A_261 : f32 to vector<16xf32>
          %add3A_263 = arith.addf %add3A_262, %exp3A_260 : vector<16xf32>
          %div3A_264 = arith.constant 1.000000e+00 : f32
          %div3A_265 = vector.broadcast %div3A_264 : f32 to vector<16xf32>
          %div3A_266 = arith.divf %div3A_265, %add3A_263 : vector<16xf32>
          %add3A_267 = arith.addf %add3A_244, %div3A_266 : vector<16xf32>
          %mul3A_268 = arith.constant 4 : i32
          %mul3A_269 = arith.muli %scan3A_202, %mul3A_268 : i32
          %add3A_270 = arith.constant 3 : i32
          %add3A_271 = arith.addi %mul3A_269, %add3A_270 : i32
          %add3A_272 = vector.broadcast %add3A_271 : i32 to vector<16xi32>
          %add3A_273 = arith.addi %iota3A, %add3A_272 : vector<16xi32>
          %and3A_274 = arith.constant 63 : i32
          %and3A_275 = vector.broadcast %and3A_274 : i32 to vector<16xi32>
          %and3A_276 = arith.andi %add3A_273, %and3A_275 : vector<16xi32>
          %gather3A_277 = tpu.vector_load_idx %arg9[%add3A_189, %and3A_276] : memref<256x64xf32, #tpu.memory_space<vmem>>[vector<16xi32>, vector<16xi32>], vector<16xf32>,
          %gather3A_278 = tpu.vector_load_idx %arg10[%add3A_189, %and3A_276] : memref<256x64xf32, #tpu.memory_space<vmem>>[vector<16xi32>, vector<16xi32>], vector<16xf32>,
          %mul3A_279 = arith.mulf %gather3A_277, %gather3A_278 : vector<16xf32>
          %neg3A_280 = arith.constant 0.000000e+00 : f32
          %neg3A_281 = vector.broadcast %neg3A_280 : f32 to vector<16xf32>
          %neg3A_282 = arith.subf %neg3A_281, %mul3A_279 : vector<16xf32>
          %exp3A_283 = math.exp %neg3A_282 : vector<16xf32>
          %add3A_284 = arith.constant 1.000000e+00 : f32
          %add3A_285 = vector.broadcast %add3A_284 : f32 to vector<16xf32>
          %add3A_286 = arith.addf %add3A_285, %exp3A_283 : vector<16xf32>
          %div3A_287 = arith.constant 1.000000e+00 : f32
          %div3A_288 = vector.broadcast %div3A_287 : f32 to vector<16xf32>
          %div3A_289 = arith.divf %div3A_288, %add3A_286 : vector<16xf32>
          %add3A_290 = arith.addf %add3A_267, %div3A_289 : vector<16xf32>
          scf.yield %add3A_290 : vector<16xf32>
        }
        %scan3A_196 = arith.constant 16 : i32
        %mul3A_197 = arith.constant 16 : i32
        %mul3A_198 = arith.muli %scan3A_184, %mul3A_197 : i32
        %add3A_199 = arith.addi %mul3A_122, %mul3A_198 : i32
        %swap3A = arith.index_cast %add3A_199 : i32 to index
        %swap3A_200 = tpu.vector_load %arg13[%swap3A] {strides = array<i32>} : memref<10240xf32, #tpu.memory_space<vmem>>, vector<16xf32>,
        tpu.vector_store %arg13[%swap3A], %scan3A_195 {strides = array<i32>} : memref<10240xf32, #tpu.memory_space<vmem>>, vector<16xf32>,
        %scan3A_201 = arith.constant 0 : i32
        scf.yield %scan3A_201 : i32
      }
      %scan3A_129 = arith.constant 16 : i32
      %add3A_130 = arith.constant 2 : i32
      %add3A_131 = arith.addi %mul3A_47, %add3A_130 : i32
      %lt3A = arith.constant 40 : i32
      %lt3A_132 = arith.cmpi slt, %add3A_131, %lt3A : i32
      %convert_element_type3A = arith.extui %lt3A_132 : i1 to i32
      %cond3A = arith.constant 0 : i32
      %cond3A_133 = arith.cmpi ne, %convert_element_type3A, %cond3A : i32
      scf.if %cond3A_133 {
        %add3A_184 = arith.constant 2 : i32
        %add3A_185 = arith.addi %mul3A_47, %add3A_184 : i32
        %mul3A_186 = arith.constant 256 : i32
        %mul3A_187 = arith.muli %add3A_185, %mul3A_186 : i32
        %add3A_188 = arith.constant 0 : i32
        %add3A_189 = arith.addi %mul3A_187, %add3A_188 : i32
        %dma_start3A_190 = arith.constant 0 : i32
        %dma_start3A_191 = arith.constant 0 : i32
        %dma_start3A_192 = tpu.memref_slice %arg9[%dma_start3A_190, %dma_start3A_191] : memref<256x64xf32, #tpu.memory_space<vmem>> -> memref<128x64xf32, #tpu.memory_space<vmem>>
        %dma_start3A_193 = tpu.memref_slice %arg7[%add3A_189] : memref<10240xi32, #tpu.memory_space<vmem>> -> memref<128xi32, #tpu.memory_space<vmem>>
        %dma_start3A_194 = arith.constant 0 : i32
        %dma_start3A_195 = arith.constant 0 : i32
        %dma_start3A_196 = tpu.memref_slice %arg4[%dma_start3A_194, %dma_start3A_195] : memref<100000x64xf32, #tpu.memory_space<hbm>> -> memref<100000x64xf32, #tpu.memory_space<hbm>>
        tpu.enqueue_indirect_dma source(%dma_start3A_196 : memref<100000x64xf32, #tpu.memory_space<hbm>>) target(%dma_start3A_192 : memref<128x64xf32, #tpu.memory_space<vmem>>) offsets(%dma_start3A_193 : memref<128xi32, #tpu.memory_space<vmem>>) semaphore(%arg14 : memref<!tpu.dma_semaphore, #tpu.memory_space<semaphore_mem>>)
        %dma_start3A_197 = arith.constant 0 : i32
        %dma_start3A_198 = arith.constant 0 : i32
        %dma_start3A_199 = tpu.memref_slice %arg10[%dma_start3A_197, %dma_start3A_198] : memref<256x64xf32, #tpu.memory_space<vmem>> -> memref<128x64xf32, #tpu.memory_space<vmem>>
        %dma_start3A_200 = tpu.memref_slice %arg8[%add3A_189] : memref<10240xi32, #tpu.memory_space<vmem>> -> memref<128xi32, #tpu.memory_space<vmem>>
        %dma_start3A_201 = arith.constant 0 : i32
        %dma_start3A_202 = arith.constant 0 : i32
        %dma_start3A_203 = tpu.memref_slice %arg5[%dma_start3A_201, %dma_start3A_202] : memref<100000x64xf32, #tpu.memory_space<hbm>> -> memref<100000x64xf32, #tpu.memory_space<hbm>>
        tpu.enqueue_indirect_dma source(%dma_start3A_203 : memref<100000x64xf32, #tpu.memory_space<hbm>>) target(%dma_start3A_199 : memref<128x64xf32, #tpu.memory_space<vmem>>) offsets(%dma_start3A_200 : memref<128xi32, #tpu.memory_space<vmem>>) semaphore(%arg14 : memref<!tpu.dma_semaphore, #tpu.memory_space<semaphore_mem>>)
        %mul3A_204 = arith.constant 256 : i32
        %mul3A_205 = arith.muli %add3A_185, %mul3A_204 : i32
        %add3A_206 = arith.constant 128 : i32
        %add3A_207 = arith.addi %mul3A_205, %add3A_206 : i32
        %dma_start3A_208 = arith.constant 128 : i32
        %dma_start3A_209 = arith.constant 0 : i32
        %dma_start3A_210 = tpu.memref_slice %arg9[%dma_start3A_208, %dma_start3A_209] : memref<256x64xf32, #tpu.memory_space<vmem>> -> memref<128x64xf32, #tpu.memory_space<vmem>>
        %dma_start3A_211 = tpu.memref_slice %arg7[%add3A_207] : memref<10240xi32, #tpu.memory_space<vmem>> -> memref<128xi32, #tpu.memory_space<vmem>>
        %dma_start3A_212 = arith.constant 0 : i32
        %dma_start3A_213 = arith.constant 0 : i32
        %dma_start3A_214 = tpu.memref_slice %arg4[%dma_start3A_212, %dma_start3A_213] : memref<100000x64xf32, #tpu.memory_space<hbm>> -> memref<100000x64xf32, #tpu.memory_space<hbm>>
        tpu.enqueue_indirect_dma source(%dma_start3A_214 : memref<100000x64xf32, #tpu.memory_space<hbm>>) target(%dma_start3A_210 : memref<128x64xf32, #tpu.memory_space<vmem>>) offsets(%dma_start3A_211 : memref<128xi32, #tpu.memory_space<vmem>>) semaphore(%arg14 : memref<!tpu.dma_semaphore, #tpu.memory_space<semaphore_mem>>)
        %dma_start3A_215 = arith.constant 128 : i32
        %dma_start3A_216 = arith.constant 0 : i32
        %dma_start3A_217 = tpu.memref_slice %arg10[%dma_start3A_215, %dma_start3A_216] : memref<256x64xf32, #tpu.memory_space<vmem>> -> memref<128x64xf32, #tpu.memory_space<vmem>>
        %dma_start3A_218 = tpu.memref_slice %arg8[%add3A_207] : memref<10240xi32, #tpu.memory_space<vmem>> -> memref<128xi32, #tpu.memory_space<vmem>>
        %dma_start3A_219 = arith.constant 0 : i32
        %dma_start3A_220 = arith.constant 0 : i32
        %dma_start3A_221 = tpu.memref_slice %arg5[%dma_start3A_219, %dma_start3A_220] : memref<100000x64xf32, #tpu.memory_space<hbm>> -> memref<100000x64xf32, #tpu.memory_space<hbm>>
        tpu.enqueue_indirect_dma source(%dma_start3A_221 : memref<100000x64xf32, #tpu.memory_space<hbm>>) target(%dma_start3A_217 : memref<128x64xf32, #tpu.memory_space<vmem>>) offsets(%dma_start3A_218 : memref<128xi32, #tpu.memory_space<vmem>>) semaphore(%arg14 : memref<!tpu.dma_semaphore, #tpu.memory_space<semaphore_mem>>)
      } else {
      }
      %add3A_134 = arith.constant 1 : i32
      %add3A_135 = arith.addi %mul3A_47, %add3A_134 : i32
      %mul3A_136 = arith.constant 256 : i32
      %mul3A_137 = arith.muli %add3A_135, %mul3A_136 : i32
      %add3A_138 = arith.constant 0 : i32
      %add3A_139 = arith.addi %mul3A_137, %add3A_138 : i32
      %dma_wait3A_140 = arith.constant 0 : i32
      %dma_wait3A_141 = arith.constant 0 : i32
      %dma_wait3A_142 = tpu.memref_slice %arg11[%dma_wait3A_140, %dma_wait3A_141] : memref<256x64xf32, #tpu.memory_space<vmem>> -> memref<128x64xf32, #tpu.memory_space<vmem>>
      %dma_wait3A_143 = tpu.memref_slice %arg7[%add3A_139] : memref<10240xi32, #tpu.memory_space<vmem>> -> memref<128xi32, #tpu.memory_space<vmem>>
      %dma_wait3A_144 = arith.constant 0 : i32
      %dma_wait3A_145 = arith.constant 0 : i32
      %dma_wait3A_146 = tpu.memref_slice %arg4[%dma_wait3A_144, %dma_wait3A_145] : memref<100000x64xf32, #tpu.memory_space<hbm>> -> memref<100000x64xf32, #tpu.memory_space<hbm>>
      tpu.wait_indirect_dma semaphore(%arg15 : memref<!tpu.dma_semaphore, #tpu.memory_space<semaphore_mem>>) src(%dma_wait3A_146 : memref<100000x64xf32, #tpu.memory_space<hbm>>) dst(%dma_wait3A_142 : memref<128x64xf32, #tpu.memory_space<vmem>>)
      %dma_wait3A_147 = arith.constant 0 : i32
      %dma_wait3A_148 = arith.constant 0 : i32
      %dma_wait3A_149 = tpu.memref_slice %arg12[%dma_wait3A_147, %dma_wait3A_148] : memref<256x64xf32, #tpu.memory_space<vmem>> -> memref<128x64xf32, #tpu.memory_space<vmem>>
      %dma_wait3A_150 = tpu.memref_slice %arg8[%add3A_139] : memref<10240xi32, #tpu.memory_space<vmem>> -> memref<128xi32, #tpu.memory_space<vmem>>
      %dma_wait3A_151 = arith.constant 0 : i32
      %dma_wait3A_152 = arith.constant 0 : i32
      %dma_wait3A_153 = tpu.memref_slice %arg5[%dma_wait3A_151, %dma_wait3A_152] : memref<100000x64xf32, #tpu.memory_space<hbm>> -> memref<100000x64xf32, #tpu.memory_space<hbm>>
      tpu.wait_indirect_dma semaphore(%arg15 : memref<!tpu.dma_semaphore, #tpu.memory_space<semaphore_mem>>) src(%dma_wait3A_153 : memref<100000x64xf32, #tpu.memory_space<hbm>>) dst(%dma_wait3A_149 : memref<128x64xf32, #tpu.memory_space<vmem>>)
      %mul3A_154 = arith.constant 256 : i32
      %mul3A_155 = arith.muli %add3A_135, %mul3A_154 : i32
      %add3A_156 = arith.constant 128 : i32
      %add3A_157 = arith.addi %mul3A_155, %add3A_156 : i32
      %dma_wait3A_158 = arith.constant 128 : i32
      %dma_wait3A_159 = arith.constant 0 : i32
      %dma_wait3A_160 = tpu.memref_slice %arg11[%dma_wait3A_158, %dma_wait3A_159] : memref<256x64xf32, #tpu.memory_space<vmem>> -> memref<128x64xf32, #tpu.memory_space<vmem>>
      %dma_wait3A_161 = tpu.memref_slice %arg7[%add3A_157] : memref<10240xi32, #tpu.memory_space<vmem>> -> memref<128xi32, #tpu.memory_space<vmem>>
      %dma_wait3A_162 = arith.constant 0 : i32
      %dma_wait3A_163 = arith.constant 0 : i32
      %dma_wait3A_164 = tpu.memref_slice %arg4[%dma_wait3A_162, %dma_wait3A_163] : memref<100000x64xf32, #tpu.memory_space<hbm>> -> memref<100000x64xf32, #tpu.memory_space<hbm>>
      tpu.wait_indirect_dma semaphore(%arg15 : memref<!tpu.dma_semaphore, #tpu.memory_space<semaphore_mem>>) src(%dma_wait3A_164 : memref<100000x64xf32, #tpu.memory_space<hbm>>) dst(%dma_wait3A_160 : memref<128x64xf32, #tpu.memory_space<vmem>>)
      %dma_wait3A_165 = arith.constant 128 : i32
      %dma_wait3A_166 = arith.constant 0 : i32
      %dma_wait3A_167 = tpu.memref_slice %arg12[%dma_wait3A_165, %dma_wait3A_166] : memref<256x64xf32, #tpu.memory_space<vmem>> -> memref<128x64xf32, #tpu.memory_space<vmem>>
      %dma_wait3A_168 = tpu.memref_slice %arg8[%add3A_157] : memref<10240xi32, #tpu.memory_space<vmem>> -> memref<128xi32, #tpu.memory_space<vmem>>
      %dma_wait3A_169 = arith.constant 0 : i32
      %dma_wait3A_170 = arith.constant 0 : i32
      %dma_wait3A_171 = tpu.memref_slice %arg5[%dma_wait3A_169, %dma_wait3A_170] : memref<100000x64xf32, #tpu.memory_space<hbm>> -> memref<100000x64xf32, #tpu.memory_space<hbm>>
      tpu.wait_indirect_dma semaphore(%arg15 : memref<!tpu.dma_semaphore, #tpu.memory_space<semaphore_mem>>) src(%dma_wait3A_171 : memref<100000x64xf32, #tpu.memory_space<hbm>>) dst(%dma_wait3A_167 : memref<128x64xf32, #tpu.memory_space<vmem>>)
      %add3A_172 = arith.constant 1 : i32
      %add3A_173 = arith.addi %mul3A_47, %add3A_172 : i32
      %mul3A_174 = arith.constant 256 : i32
      %mul3A_175 = arith.muli %add3A_173, %mul3A_174 : i32
      %scan3A_176 = arith.constant 0 : i32
      %scan3A_177 = arith.constant 0 : i32
      %scan3A_178 = arith.constant 16 : i32
      %scan3A_179 = arith.addi %scan3A_177, %scan3A_178 : i32
      %scan3A_180 = arith.constant 1 : i32
      %scan3A_181 = scf.for %scan3A_184 = %scan3A_177 to %scan3A_179 step %scan3A_180 iter_args(%scan3A_185 = %scan3A_176) -> (i32)  : i32 {
        %mul3A_186 = arith.constant 16 : i32
        %mul3A_187 = arith.muli %scan3A_184, %mul3A_186 : i32
        %add3A_188 = vector.broadcast %mul3A_187 : i32 to vector<16xi32>
        %add3A_189 = arith.addi %add3A_188, %iota3A : vector<16xi32>
        %broadcast_in_dim3A = arith.constant 0.000000e+00 : f32
        %broadcast_in_dim3A_190 = vector.broadcast %broadcast_in_dim3A : f32 to vector<16xf32>
        %scan3A_191 = arith.constant 0 : i32
        %scan3A_192 = arith.constant 16 : i32
        %scan3A_193 = arith.addi %scan3A_191, %scan3A_192 : i32
        %scan3A_194 = arith.constant 1 : i32
        %scan3A_195 = scf.for %scan3A_202 = %scan3A_191 to %scan3A_193 step %scan3A_194 iter_args(%scan3A_203 = %broadcast_in_dim3A_190) -> (vector<16xf32>)  : i32 {
          %mul3A_204 = arith.constant 4 : i32
          %mul3A_205 = arith.muli %scan3A_202, %mul3A_204 : i32
          %add3A_206 = arith.constant 0 : i32
          %add3A_207 = arith.addi %mul3A_205, %add3A_206 : i32
          %add3A_208 = vector.broadcast %add3A_207 : i32 to vector<16xi32>
          %add3A_209 = arith.addi %iota3A, %add3A_208 : vector<16xi32>
          %and3A = arith.constant 63 : i32
          %and3A_210 = vector.broadcast %and3A : i32 to vector<16xi32>
          %and3A_211 = arith.andi %add3A_209, %and3A_210 : vector<16xi32>
          %gather3A = tpu.vector_load_idx %arg11[%add3A_189, %and3A_211] : memref<256x64xf32, #tpu.memory_space<vmem>>[vector<16xi32>, vector<16xi32>], vector<16xf32>,
          %gather3A_212 = tpu.vector_load_idx %arg12[%add3A_189, %and3A_211] : memref<256x64xf32, #tpu.memory_space<vmem>>[vector<16xi32>, vector<16xi32>], vector<16xf32>,
          %mul3A_213 = arith.mulf %gather3A, %gather3A_212 : vector<16xf32>
          %neg3A = arith.constant 0.000000e+00 : f32
          %neg3A_214 = vector.broadcast %neg3A : f32 to vector<16xf32>
          %neg3A_215 = arith.subf %neg3A_214, %mul3A_213 : vector<16xf32>
          %exp3A = math.exp %neg3A_215 : vector<16xf32>
          %add3A_216 = arith.constant 1.000000e+00 : f32
          %add3A_217 = vector.broadcast %add3A_216 : f32 to vector<16xf32>
          %add3A_218 = arith.addf %add3A_217, %exp3A : vector<16xf32>
          %div3A = arith.constant 1.000000e+00 : f32
          %div3A_219 = vector.broadcast %div3A : f32 to vector<16xf32>
          %div3A_220 = arith.divf %div3A_219, %add3A_218 : vector<16xf32>
          %add3A_221 = arith.addf %scan3A_203, %div3A_220 : vector<16xf32>
          %mul3A_222 = arith.constant 4 : i32
          %mul3A_223 = arith.muli %scan3A_202, %mul3A_222 : i32
          %add3A_224 = arith.constant 1 : i32
          %add3A_225 = arith.addi %mul3A_223, %add3A_224 : i32
          %add3A_226 = vector.broadcast %add3A_225 : i32 to vector<16xi32>
          %add3A_227 = arith.addi %iota3A, %add3A_226 : vector<16xi32>
          %and3A_228 = arith.constant 63 : i32
          %and3A_229 = vector.broadcast %and3A_228 : i32 to vector<16xi32>
          %and3A_230 = arith.andi %add3A_227, %and3A_229 : vector<16xi32>
          %gather3A_231 = tpu.vector_load_idx %arg11[%add3A_189, %and3A_230] : memref<256x64xf32, #tpu.memory_space<vmem>>[vector<16xi32>, vector<16xi32>], vector<16xf32>,
          %gather3A_232 = tpu.vector_load_idx %arg12[%add3A_189, %and3A_230] : memref<256x64xf32, #tpu.memory_space<vmem>>[vector<16xi32>, vector<16xi32>], vector<16xf32>,
          %mul3A_233 = arith.mulf %gather3A_231, %gather3A_232 : vector<16xf32>
          %neg3A_234 = arith.constant 0.000000e+00 : f32
          %neg3A_235 = vector.broadcast %neg3A_234 : f32 to vector<16xf32>
          %neg3A_236 = arith.subf %neg3A_235, %mul3A_233 : vector<16xf32>
          %exp3A_237 = math.exp %neg3A_236 : vector<16xf32>
          %add3A_238 = arith.constant 1.000000e+00 : f32
          %add3A_239 = vector.broadcast %add3A_238 : f32 to vector<16xf32>
          %add3A_240 = arith.addf %add3A_239, %exp3A_237 : vector<16xf32>
          %div3A_241 = arith.constant 1.000000e+00 : f32
          %div3A_242 = vector.broadcast %div3A_241 : f32 to vector<16xf32>
          %div3A_243 = arith.divf %div3A_242, %add3A_240 : vector<16xf32>
          %add3A_244 = arith.addf %add3A_221, %div3A_243 : vector<16xf32>
          %mul3A_245 = arith.constant 4 : i32
          %mul3A_246 = arith.muli %scan3A_202, %mul3A_245 : i32
          %add3A_247 = arith.constant 2 : i32
          %add3A_248 = arith.addi %mul3A_246, %add3A_247 : i32
          %add3A_249 = vector.broadcast %add3A_248 : i32 to vector<16xi32>
          %add3A_250 = arith.addi %iota3A, %add3A_249 : vector<16xi32>
          %and3A_251 = arith.constant 63 : i32
          %and3A_252 = vector.broadcast %and3A_251 : i32 to vector<16xi32>
          %and3A_253 = arith.andi %add3A_250, %and3A_252 : vector<16xi32>
          %gather3A_254 = tpu.vector_load_idx %arg11[%add3A_189, %and3A_253] : memref<256x64xf32, #tpu.memory_space<vmem>>[vector<16xi32>, vector<16xi32>], vector<16xf32>,
          %gather3A_255 = tpu.vector_load_idx %arg12[%add3A_189, %and3A_253] : memref<256x64xf32, #tpu.memory_space<vmem>>[vector<16xi32>, vector<16xi32>], vector<16xf32>,
          %mul3A_256 = arith.mulf %gather3A_254, %gather3A_255 : vector<16xf32>
          %neg3A_257 = arith.constant 0.000000e+00 : f32
          %neg3A_258 = vector.broadcast %neg3A_257 : f32 to vector<16xf32>
          %neg3A_259 = arith.subf %neg3A_258, %mul3A_256 : vector<16xf32>
          %exp3A_260 = math.exp %neg3A_259 : vector<16xf32>
          %add3A_261 = arith.constant 1.000000e+00 : f32
          %add3A_262 = vector.broadcast %add3A_261 : f32 to vector<16xf32>
          %add3A_263 = arith.addf %add3A_262, %exp3A_260 : vector<16xf32>
          %div3A_264 = arith.constant 1.000000e+00 : f32
          %div3A_265 = vector.broadcast %div3A_264 : f32 to vector<16xf32>
          %div3A_266 = arith.divf %div3A_265, %add3A_263 : vector<16xf32>
          %add3A_267 = arith.addf %add3A_244, %div3A_266 : vector<16xf32>
          %mul3A_268 = arith.constant 4 : i32
          %mul3A_269 = arith.muli %scan3A_202, %mul3A_268 : i32
          %add3A_270 = arith.constant 3 : i32
          %add3A_271 = arith.addi %mul3A_269, %add3A_270 : i32
          %add3A_272 = vector.broadcast %add3A_271 : i32 to vector<16xi32>
          %add3A_273 = arith.addi %iota3A, %add3A_272 : vector<16xi32>
          %and3A_274 = arith.constant 63 : i32
          %and3A_275 = vector.broadcast %and3A_274 : i32 to vector<16xi32>
          %and3A_276 = arith.andi %add3A_273, %and3A_275 : vector<16xi32>
          %gather3A_277 = tpu.vector_load_idx %arg11[%add3A_189, %and3A_276] : memref<256x64xf32, #tpu.memory_space<vmem>>[vector<16xi32>, vector<16xi32>], vector<16xf32>,
          %gather3A_278 = tpu.vector_load_idx %arg12[%add3A_189, %and3A_276] : memref<256x64xf32, #tpu.memory_space<vmem>>[vector<16xi32>, vector<16xi32>], vector<16xf32>,
          %mul3A_279 = arith.mulf %gather3A_277, %gather3A_278 : vector<16xf32>
          %neg3A_280 = arith.constant 0.000000e+00 : f32
          %neg3A_281 = vector.broadcast %neg3A_280 : f32 to vector<16xf32>
          %neg3A_282 = arith.subf %neg3A_281, %mul3A_279 : vector<16xf32>
          %exp3A_283 = math.exp %neg3A_282 : vector<16xf32>
          %add3A_284 = arith.constant 1.000000e+00 : f32
          %add3A_285 = vector.broadcast %add3A_284 : f32 to vector<16xf32>
          %add3A_286 = arith.addf %add3A_285, %exp3A_283 : vector<16xf32>
          %div3A_287 = arith.constant 1.000000e+00 : f32
          %div3A_288 = vector.broadcast %div3A_287 : f32 to vector<16xf32>
          %div3A_289 = arith.divf %div3A_288, %add3A_286 : vector<16xf32>
          %add3A_290 = arith.addf %add3A_267, %div3A_289 : vector<16xf32>
          scf.yield %add3A_290 : vector<16xf32>
        }
        %scan3A_196 = arith.constant 16 : i32
        %mul3A_197 = arith.constant 16 : i32
        %mul3A_198 = arith.muli %scan3A_184, %mul3A_197 : i32
        %add3A_199 = arith.addi %mul3A_175, %mul3A_198 : i32
        %swap3A = arith.index_cast %add3A_199 : i32 to index
        %swap3A_200 = tpu.vector_load %arg13[%swap3A] {strides = array<i32>} : memref<10240xf32, #tpu.memory_space<vmem>>, vector<16xf32>,
        tpu.vector_store %arg13[%swap3A], %scan3A_195 {strides = array<i32>} : memref<10240xf32, #tpu.memory_space<vmem>>, vector<16xf32>,
        %scan3A_201 = arith.constant 0 : i32
        scf.yield %scan3A_201 : i32
      }
      %scan3A_182 = arith.constant 16 : i32
      %scan3A_183 = arith.constant 0 : i32
      scf.yield %scan3A_183 : i32
    }
    %scan3A_41 = arith.constant 20 : i32
    %mul3A_42 = arith.constant 10240 : i32
    %mul3A_43 = arith.muli %add3A, %mul3A_42 : i32
    "tpu.region"() ({
      %run_scoped3A = tpu.sem_alloc : memref<!tpu.dma_semaphore, #tpu.memory_space<semaphore_mem>>
      %dma_start3A_44 = tpu.memref_slice %arg6[%mul3A_43] : memref<327680xf32, #tpu.memory_space<hbm>> -> memref<10240xf32, #tpu.memory_space<hbm>>
      %dma_start3A_45 = tpu.memref_slice %arg6[%mul3A_43] : memref<327680xf32, #tpu.memory_space<hbm>> -> memref<10240xf32, #tpu.memory_space<hbm>>
      tpu.enqueue_dma source(%arg13 : memref<10240xf32, #tpu.memory_space<vmem>>) target(%dma_start3A_45 : memref<10240xf32, #tpu.memory_space<hbm>>) target_semaphore(%run_scoped3A : memref<!tpu.dma_semaphore, #tpu.memory_space<semaphore_mem>>)
      %dma_wait3A = tpu.memref_slice %arg6[%mul3A_43] : memref<327680xf32, #tpu.memory_space<hbm>> -> memref<10240xf32, #tpu.memory_space<hbm>>
      %dma_wait3A_46 = tpu.memref_slice %arg6[%mul3A_43] : memref<327680xf32, #tpu.memory_space<hbm>> -> memref<10240xf32, #tpu.memory_space<hbm>>
      tpu.wait_dma2 semaphore(%run_scoped3A : memref<!tpu.dma_semaphore, #tpu.memory_space<semaphore_mem>>) src(%arg13 : memref<10240xf32, #tpu.memory_space<vmem>>) dst(%dma_wait3A_46 : memref<10240xf32, #tpu.memory_space<hbm>>)
      tpu.yield
    }) : () -> ()
    return
  }
}

</mosaic_0001>

<sc_bundles>
// kernel: kernel.3.cloned.1.call-start
scs
__scs_entry_jumppad:
0x0: {  	(pc) =	sbr.rel $0x88, $3  }
0x1: {  	(tag) =	ssettag $0x0;
	lr =	simm.s32 $0x1  }
0x2: {  	[smem:$0x3F9E] =	sst lr;
	_ =	strace $0xD0000000  }
0x3: {  	_ = 	snop  }
0x4: {  	_ = 	snop  }
0x5: {  	_ = 	snop  }
0x6: {  	_ = 	snop  }
0x7: {  	_ = 	snop  }
__scs_overlays_trampoline_lowered:
0x8: {  	[smem:$0x3FAD] =	sst s0  }
0x9: {  	[smem:$0x3FAE] =	sst s1  }
0xa: {  	[smem:$0x3FAF] =	sst s2  }
0xb: {  	[smem:$0x3FB0] =	sst s3  }
0xc: {  	[smem:$0x3FB1] =	sst s4  }
0xd: {  	[smem:$0x3FB2] =	sst s5  }
0xe: {  	[smem:$0x3FB3] =	sst s6  }
0xf: {  	[smem:$0x3FB4] =	sst s7  }
0x10: {  	[smem:$0x3FB5] =	sst s8  }
0x11: {  	[smem:$0x3FB6] =	sst s9;
	s0 =	simm.s32 @!p0 $0x0  }
0x12: {  	s1 =	sld [smem:$0x3F9C];
	s0 =	simm.s32 @p0 $0x1  }
0x13: {  	[smem:$0x3FB7] =	sst s0;
	s0 =	simm.s32 @!p1 $0x0  }
0x14: {  	s2 =	sld [smem:$0x3F9B];
	s0 =	simm.s32 @p1 $0x1  }
0x15: {  	[smem:$0x3FB8] =	sst s0;
	s0 =	simm.s32 @!p2 $0x0  }
0x16: {  	s3 =	sld [smem:$0x3FDB];
	s0 =	simm.s32 @p2 $0x1  }
0x17: {  	s4 =	simm.s32 $0x1BF5;
	[smem:$0x3FBA] =	sst s0  }
0x18: {  	s0 =	sld [smem:$0x3F9D];
	_ =	swait.ge [sflag:s4], $0x0  }
0x19: {  	s7 =	sld [smem:$0x3F9E]  }
0x1a: {  	s8 =	sadd.s32 $0xFFFFE003, lr  }
0x1b: {  	s9 =	sadd.s32 $0xFFFFFEF7, lr;
	s5 =	simm.s32 $0xFFFFFFFF;
	p2 =	slt.u32 s8, $0xFFFFF086  }
0x1c: {  	p1 =	slt.u32 s9, $0xF7A;
	s5 =	simm.s32 @!p2 $0x0  }
0x1d: {  	s5 =	simm.s32 @p1 $0x1;
	p0 =	seq.s32 s7, s2  }
0x1e: {  	s7 =	smul.u32 @!p0 $0xF7A, s2;
	p2 =	seq.s32 @!p0 s5, $0x0  }
0x1f: {  	s9 =	smul.u32 $0xF7A, s1;
	s8 =	simm.s32 @!p0 $0x1BF5;
	p2 =	por !p2, p0  }
0x20: {  	[sflag:s8] =	ssyncset.s32 @!p0 $0xFFFFF086;
	s6 =	sadd.s32 @!p0 s3, s7;
	s7 =	simm.s32 @!p0 $0x108  }
0x21: {  	s3 =	sadd.s32 s3, s9;
	s6 =	sadd.s32 @!p0 $0x88, s6;
	s7 =	simm.s32 @p2 $0x1082  }
0x22: {  	[simem:s7], [sflag:s8] =	dma.local @!p0 [hbm:s6], $0xF7A  }
0x23: {  	s9 =	sor.u32 $0xD0000000, s2;
	s6 =	simm.s32 $0x108;
	_ =	swait.ge @!p0 [sflag:s8], $0x0  }
0x24: {  	s3 =	sadd.s32 $0x88, s3;
	s6 =	simm.s32 @!p1 $0x1082;
	[sflag:s4] =	ssyncset.s32 $0xFFFFF086  }
0x25: {  	[simem:s6], [sflag:s4] =	dma.local [hbm:s3], $0xF7A  }
0x26: {  	[smem:$0x3F9E] =	sst s1;
	(tag) =	ssettag s2;
	_ =	strace s9  }
0x27: {  	s1 =	sld [smem:$0x3FAE]  }
0x28: {  	s2 =	sld [smem:$0x3FAF]  }
0x29: {  	s4 =	sld [smem:$0x3FB1]  }
0x2a: {  	p0 =	seq.s32 s5, $0x0;
	s5 =	sld [smem:$0x3FB2]  }
0x2b: {  	s6 =	sld [smem:$0x3FB3]  }
0x2c: {  	s7 =	sld [smem:$0x3FB4]  }
0x2d: {  	s3 =	simm.s32 $0x108;
	s8 =	sld [smem:$0x3FB5]  }
0x2e: {  	s3 =	simm.s32 @!p0 $0x1082;
	s9 =	sld [smem:$0x3FB6]  }
0x2f: {  	lr =	sadd.s32 s0, s3;
	s0 =	sld [smem:$0x3FAD]  }
0x30: {  	s3 =	sld [smem:$0x3FB0]  }
0x31: {  	[smem:$0x3FB9] =	sst s10  }
0x32: {  	s10 =	sld [smem:$0x3FB7];
	_ =	sdelay $0x3  }
0x33: {  	p0 =	seq.s32 s10, $0x1;
	s10 =	sld [smem:$0x3FB9];
	_ =	sdelay $0x3  }
0x34: {  	[smem:$0x3FB9] =	sst s10  }
0x35: {  	s10 =	sld [smem:$0x3FB8];
	_ =	sdelay $0x3  }
0x36: {  	p1 =	seq.s32 s10, $0x1;
	s10 =	sld [smem:$0x3FB9];
	_ =	sdelay $0x3  }
0x37: {  	[smem:$0x3FB9] =	sst s10  }
0x38: {  	s10 =	sld [smem:$0x3FBA]  }
0x39: {  	_ = 	snop;
	(pc) =	sbr.ind lr, $3  }
0x3a: {  	_ = 	snop  }
0x3b: {  	_ = 	snop  }
0x3c: {  	p2 =	seq.s32 s10, $0x1;
	s10 =	sld [smem:$0x3FB9]  }
0x3d: {  	_ =	shalt  }
0x3e: {  	_ =	shalt  }
0x3f: {  	_ =	shalt  }
0x40: {  	_ =	shalt  }
0x41: {  	_ =	shalt  }
0x42: {  	_ =	shalt  }
0x43: {  	_ =	shalt  }
0x44: {  	_ =	shalt  }
0x45: {  	_ =	shalt  }
0x46: {  	_ =	shalt  }
0x47: {  	_ =	shalt  }
0x48: {  	_ =	shalt  }
0x49: {  	_ =	shalt  }
0x4a: {  	_ =	shalt  }
0x4b: {  	_ =	shalt  }
0x4c: {  	_ =	shalt  }
0x4d: {  	_ =	shalt  }
0x4e: {  	_ =	shalt  }
0x4f: {  	_ =	shalt  }
0x50: {  	_ =	shalt  }
0x51: {  	_ =	shalt  }
0x52: {  	_ =	shalt  }
0x53: {  	_ =	shalt  }
0x54: {  	_ =	shalt  }
0x55: {  	_ =	shalt  }
0x56: {  	_ =	shalt  }
0x57: {  	_ =	shalt  }
0x58: {  	_ =	shalt  }
0x59: {  	_ =	shalt  }
0x5a: {  	_ =	shalt  }
0x5b: {  	_ =	shalt  }
0x5c: {  	_ =	shalt  }
0x5d: {  	_ =	shalt  }
0x5e: {  	_ =	shalt  }
0x5f: {  	_ =	shalt  }
0x60: {  	_ =	shalt  }
0x61: {  	_ =	shalt  }
0x62: {  	_ =	shalt  }
0x63: {  	_ =	shalt  }
0x64: {  	_ =	shalt  }
0x65: {  	_ =	shalt  }
0x66: {  	_ =	shalt  }
0x67: {  	_ =	shalt  }
0x68: {  	_ =	shalt  }
0x69: {  	_ =	shalt  }
0x6a: {  	_ =	shalt  }
0x6b: {  	_ =	shalt  }
0x6c: {  	_ =	shalt  }
0x6d: {  	_ =	shalt  }
0x6e: {  	_ =	shalt  }
0x6f: {  	_ =	shalt  }
0x70: {  	_ =	shalt  }
0x71: {  	_ =	shalt  }
0x72: {  	_ =	shalt  }
0x73: {  	_ =	shalt  }
0x74: {  	_ =	shalt  }
0x75: {  	_ =	shalt  }
0x76: {  	_ =	shalt  }
0x77: {  	_ =	shalt  }
0x78: {  	_ =	shalt  }
0x79: {  	_ =	shalt  }
0x7a: {  	_ =	shalt  }
0x7b: {  	_ =	shalt  }
0x7c: {  	_ =	shalt  }
0x7d: {  	_ =	shalt  }
0x7e: {  	_ =	shalt  }
0x7f: {  	_ =	shalt  }
0x80: {  	_ =	shalt  }
0x81: {  	_ =	shalt  }
0x82: {  	_ =	shalt  }
0x83: {  	_ =	shalt  }
0x84: {  	_ =	shalt  }
0x85: {  	_ =	shalt  }
0x86: {  	_ =	shalt  }
0x87: {  	_ =	shalt  }
.Lfunc_end0:
.L_simem_size_0:
called_computation_lowered:
.L_overlay_start_0:
0x88: {  	s2 =	sld [smem:$0x3FD9]  }
0x89: {  	s3 =	sld [smem:$0x3FFE];
	_ =	sdelay $0x1  }
0x8a: {  	s1 =	srdreg.scid  }
0x8b: {  	s0 =	sand.u32 $0x1, s1  }
0x8c: {  	s17 =	sshll.u32 s0, $0xA;
	s2 =	sadd.s32 s3, s2  }
0x8d: {  	s2 =	sadd.s32 s2, s17  }
0x8e: {  	[smem:$0x3FC5] =	sst s2  }
0x8f: {  	_ = 	snop  }
0x90: {  	s2 =	sld [smem:$0x3FD0];
	(tm) =	ssettm $0x1  }
0x91: {  	s18 =	sld [smem:$0x3FFB];
	_ =	sdelay $0x3  }
0x92: {  	_ =	strace s18  }
0x93: {  	s3 =	sld [smem:$0x3FFC];
	_ =	sdelay $0x3  }
0x94: {  	_ =	strace s3  }
0x95: {  	s3 =	sld [smem:$0x3FFD];
	_ =	sdelay $0x3  }
0x96: {  	_ =	strace s3  }
0x97: {  	_ =	strace $0x8FFFFFFF  }
0x98: {  	s19 =	sld [smem:$0x3FDB];
	_ =	sdelay $0x1  }
0x99: {  	s4 =	simm.s32 $_scs_section_size  }
0x9a: {  	s5 =	simm.s32 $_size__tile_overlayer_lowered;
	s6 =	simm.s32 $_tile_overlayer_lowered  }
0x9b: {  	s22 =	simm.s32 $0x1BFF;
	s21 =	sshll.u32 s6, $0x1;
	s3 =	sadd.s32 s4, s19  }
0x9c: {  	s7 =	simm.s32 $0x0;
	s20 =	sshll.u32 s5, $0x1;
	s5 =	sadd.s32 s21, s3  }
0x9d: {  	[timem:s7], [sflag:s22] =	dma.local [hbm:s5], s20  }
0x9e: {  	_ =	swait.ge [sflag:s22], s20  }
0x9f: {  	s4 =	ssub.s32 $0x0, s20;
	[sflag:s22] =	ssyncset.done $0x0  }
0xa0: {  	[sflag:s22] =	ssyncadd.s32 s4;
	_ =	sdelay $0x1  }
0xa1: {  	s23 =	simm.s32 $0x1B8B  }
0xa2: {  	_ =	swait.ge [sflag:s23], $0x1  }
0xa3: {  	[sflag:s23] =	ssyncset.done $0x0  }
0xa4: {  	s25 =	simm.s32 $0x1B8E;
	s24 =	sld [smem:$0x3FFE];
	[sflag:s23] =	ssyncadd.s32 $0xFFFFFFFF  }
0xa5: {  	s26 =	simm.s32 $execute0_lowered;
	[smem:$0x3FD2] =	sst s25  }
0xa6: {  	s5 =	sshll.u32 s26, $0x1;
	_ =	strace $0x80000046;
	[dreg:$0x1] =	wrdreg $0xFFFFFFFF  }
0xa7: {  	s28 =	simm.s32 $_size_execute0_lowered;
	s3 =	sadd.s32 s3, s5;
	[dreg:$0x0] =	wrdreg $0x0  }
0xa8: {  	s5 =	sshll.u32 s28, $0x1;
	[dreg:$0x2] =	wrdreg s3  }
0xa9: {  	[dreg:$0x3] =	wrdreg s5  }
0xaa: {  	[dreg:$0x4] =	wrdreg $0xC0  }
0xab: {  	_ =	task [dreg:s7], $0x5FFFF  }
0xac: {  	[dreg:$0x1] =	wrdreg $0xFFFFFFFF  }
0xad: {  	[dreg:$0x0] =	wrdreg $0x60  }
0xae: {  	[dreg:$0x2] =	wrdreg s24  }
0xaf: {  	[dreg:$0x3] =	wrdreg s2  }
0xb0: {  	[dreg:$0x4] =	wrdreg $0x9  }
0xb1: {  	_ =	task.clear_ibuf [dreg:s7], $0x5FFFF;
	_ =	strace $0x90000046  }
0xb2: {  	s29 =	simm.s32 $0x9;
	_ =	strace $0x80000048  }
0xb3: {  	_ =	swait.ge [sflag:s29], $0x1  }
0xb4: {  	[sflag:s29] =	ssyncadd.s32 $0xFFFFFFFF  }
0xb5: {  	_ =	strace $0x90000048  }
0xb6: {  	_ =	sfence  }
0xb7: {  	s30 =	sld [smem:$0x0];
	_ =	sdelay $0x2  }
0xb8: {  	s31 =	sshll.u32 s1, $0xD;
	s1 =	sshrl.u32 s1, $0x2  }
0xb9: {  	s3 =	sand.u32 $0x4000, s31;
	s1 =	sadd.s32 s1, s30  }
0xba: {  	s0 =	sor.u32 s3, s0;
	s1 =	sshll.u32 s1, $0x11  }
0xbb: {  	s0 =	sor.u32 s1, s0  }
0xbc: {  	s0 =	sadd.s32 $0x8F2B, s0  }
0xbd: {  	[sflag:s0] =	ssyncadd.remote.s32 $0x1  }
0xbe: {  	_ =	sfence.sel $0xFFFF  }
0xbf: {  	[dreg:$0x0] =	wrdreg $0xFFFFFFFF;
	(pc) =	sbr.abs _section_cstart, $3  }
0xc0: {  	[dreg:$0x1] =	wrdreg $0xFFFFFFFF  }
0xc1: {  	_ =	task.clear_ibuf [dreg:s7], $0x2FFFF;
	_ =	strace $0x9FFFFFFF  }
0xc2: {  	(tm) =	ssettm $0x7FFFFFFF  }
0xc3: {  	_ =	shalt  }
tec
execute0_lowered:
.L_overlay_start_1:
0x0: {  	(tag) =	ssettag $0x1  }
0x1: {  	s1 =	srdreg.scid;
	s4 =	rddreg [dreg:$0x0]  }
0x2: {  	s0 =	stileid.u32;
	s7 =	rddreg [dreg:$0x1];
	s9 =	simm.s32 $0x3  }
0x3: {  	s10 =	simm.s32 $0x2800;
	s11 =	simm.s32 $0x80;
	s12 =	simm.s32 $0x5000  }
0x4: {  	s13 =	simm.s32 $0x9000;
	s16 =	simm.s32 $0xB000;
	s17 =	simm.s32 $0xD000  }
0x5: {  	s18 =	simm.s32 $0x11000;
	s19 =	simm.s32 $0xF000;
	s20 =	simm.s32 $0x13000  }
0x6: {  	s21 =	simm.s32 $0x1;
	s22 =	simm.s32 $0x2;
	s23 =	simm.s32 $0x15000  }
0x7: {  	s24 =	simm.s32 $0x0;
	s1 =	sand.u32 $0x1, s1;
	s2 =	sshll.u32 s0, $0x1  }
0x8: {  	s3 =	sor.u32 s1, s2;
	s2 =	simm.s32 $0x0;
	s1 =	ssub.s32 $0x2, s1  }
0x9: {  	s8 =	smul.u32 $0x500, s3;
	[smem:$0x7FF] =	sst s2;
	s5 =	sshrl.u32 s1, $0x1  }
0xa: {  	s3 =	sadd.s32 $0x19CC00, s4;
	_ =	strace $0x80000047;
	s1 =	ssub.s32 s1, s5  }
0xb: {  	v0 =	vlaneseq.u32;
	s6 =	sadd.s32 s8, s4;
	s4 =	sadd.s32 $0x260200, s4;
	s7 =	sadd.s32 s7, s8  }
0xc: {  	v1 =	vmul.u32 $0x40, v0;
	s8 =	smax.u32 s1, $0x1;
	s5 =	sadd.s32 $0xC200, s6;
	s6 =	sadd.s32 $0x2200, s6  }
.LBB2_1:
0xd: {  	[tilespmem:s2], [sflag:$0x3] =	stream.linear.gather [hbm4b:s5+s2], $0x2800, $0x38;
	[tilespmem:$0x17800] =	vst v63  }
0xe: {  	_ =	swait.ge [sflag:s9], $0x2800  }
0xf: {  	[sflag:s9] =	ssyncset.done $0x0  }
0x10: {  	[sflag:s9] =	ssyncadd.s32 $0xFFFFD800  }
0x11: {  	[tilespmem:s10], [sflag:$0x3] =	stream.linear.gather [hbm4b:s6+s2], $0x2800, $0x38;
	[tilespmem:$0x17800] =	vst v63  }
0x12: {  	_ =	swait.ge [sflag:s9], $0x2800  }
0x13: {  	[sflag:s9] =	ssyncset.done $0x0  }
0x14: {  	[sflag:s9] =	ssyncadd.s32 $0xFFFFD800  }
0x15: {  	[tilespmem:s12], [sflag:$0x1] =	stream.indirect.gather [hbm4b:s3+s11], $0x40, s2, s11, $0xb8;
	[tilespmem:$0x17800] =	vst v63  }
0x16: {  	_ = 	snop  }
0x17: {  	[tilespmem:s13], [sflag:$0x1] =	stream.indirect.gather [hbm4b:s4+s11], $0x40, s10, s11, $0xb8;
	[tilespmem:$0x17800] =	vst v63  }
0x18: {  	s0 =	simm.s32 $0x7000  }
0x19: {  	[tilespmem:s0], [sflag:$0x1] =	stream.indirect.gather [hbm4b:s3+s11], $0x40, s11, s11, $0xb8;
	[tilespmem:$0x17800] =	vst v63  }
0x1a: {  	s31 =	simm.s32 $0x2880;
	s25 =	simm.s32 $0x0  }
0x1b: {  	[tilespmem:s16], [sflag:$0x1] =	stream.indirect.gather [hbm4b:s4+s11], $0x40, s31, s11, $0xb8;
	[tilespmem:$0x17800] =	vst v63  }
.LBB2_2:
0x1c: {  	s28 =	sshll.u32 s25, $0x9  }
0x1d: {  	s26 =	sor.u32 $0x100, s28  }
0x1e: {  	[tilespmem:s17], [sflag:$0x2] =	stream.indirect.gather [hbm4b:s3+s11], $0x40, s26, s11, $0xb8;
	[tilespmem:$0x17800] =	vst v63  }
0x1f: {  	s1 =	sadd.s32 $0x2900, s28  }
0x20: {  	[tilespmem:s18], [sflag:$0x2] =	stream.indirect.gather [hbm4b:s4+s11], $0x40, s1, s11, $0xb8;
	[tilespmem:$0x17800] =	vst v63  }
0x21: {  	s14 =	sor.u32 $0x180, s28  }
0x22: {  	[tilespmem:s19], [sflag:$0x2] =	stream.indirect.gather [hbm4b:s3+s11], $0x40, s14, s11, $0xb8;
	[tilespmem:$0x17800] =	vst v63  }
0x23: {  	s15 =	sadd.s32 $0x2980, s28  }
0x24: {  	[tilespmem:s20], [sflag:$0x2] =	stream.indirect.gather [hbm4b:s4+s11], $0x40, s15, s11, $0xb8;
	[tilespmem:$0x17800] =	vst v63  }
0x25: {  	_ =	swait.ge [sflag:s21], $0x2000  }
0x26: {  	[sflag:s21] =	ssyncset.done $0x0  }
0x27: {  	[sflag:s21] =	ssyncadd.s32 $0xFFFFE000  }
0x28: {  	_ =	swait.ge [sflag:s21], $0x2000  }
0x29: {  	[sflag:s21] =	ssyncset.done $0x0  }
0x2a: {  	[sflag:s21] =	ssyncadd.s32 $0xFFFFE000  }
0x2b: {  	_ =	swait.ge [sflag:s21], $0x2000  }
0x2c: {  	[sflag:s21] =	ssyncset.done $0x0  }
0x2d: {  	[sflag:s21] =	ssyncadd.s32 $0xFFFFE000  }
0x2e: {  	s31 =	sand.u32 $0x3FFFFE00, s28;
	_ =	swait.ge [sflag:s21], $0x2000  }
0x2f: {  	s1 =	sadd.s32 $0x15000, s31;
	[sflag:s21] =	ssyncset.done $0x0  }
0x30: {  	s29 =	simm.s32 $0x0;
	s30 =	simm.s32 $0x0;
	v2 =	vmov s1;
	[sflag:s21] =	ssyncadd.s32 $0xFFFFE000  }
.LBB2_3:
0x31: {  	s31 =	sshll.u32 s30, $0x4  }
0x32: {  	v3 =	vmov s31  }
0x33: {  	v4 =	vadd.s32 s29, v0;
	v3 =	vshll.u32 v3, $0x6  }
0x34: {  	s1 =	simm.s32 $0x3;
	v4 =	vand.u32 $0x3F, v4;
	v3 =	vor.u32 v1, v3  }
0x35: {  	s0 =	simm.s32 $0x1;
	v5 =	vadd.s32 s1, v0;
	v4 =	vor.u32 v3, v4  }
0x36: {  	v6 =	vadd.s32 s0, v0;
	v5 =	vand.u32 $0x3F, v5  }
0x37: {  	s15 =	simm.s32 $0x2;
	v6 =	vand.u32 $0x3F, v6;
	v5 =	vor.u32 v3, v5  }
0x38: {  	v7 =	vadd.s32 s15, v0;
	v6 =	vor.u32 v3, v6  }
0x39: {  	v7 =	vand.u32 $0x3F, v7  }
0x3a: {  	v7 =	vor.u32 v3, v7;
	v8 =	vld.idx.msk [tilespmem:v4+s12+$0x0], $0xffff  }
0x3b: {  	v4 =	vld.idx.msk [tilespmem:v4+s13+$0x0], $0xffff  }
0x3c: {  	v9 =	vld.idx.msk [tilespmem:v5+s12+$0x0], $0xffff  }
0x3d: {  	v10 =	vld.idx.msk [tilespmem:v6+s12+$0x0], $0xffff  }
0x3e: {  	v6 =	vld.idx.msk [tilespmem:v6+s13+$0x0], $0xffff  }
0x3f: {  	s1 =	simm.s32 $0x4;
	v11 =	vld.idx.msk [tilespmem:v7+s12+$0x0], $0xffff  }
0x40: {  	v12 =	vadd.s32 s1, v0;
	v7 =	vld.idx.msk [tilespmem:v7+s13+$0x0], $0xffff  }
0x41: {  	s14 =	simm.s32 $0x5;
	v12 =	vand.u32 $0x3F, v12;
	v5 =	vld.idx.msk [tilespmem:v5+s13+$0x0], $0xffff  }
0x42: {  	v12 =	vor.u32 v3, v12;
	v4 =	vmul.f32 v4, v8;
	v8 =	vadd.s32 s14, v0  }
0x43: {  	v6 =	vmul.f32 v6, v10;
	v8 =	vand.u32 $0x3F, v8  }
0x44: {  	s15 =	simm.s32 $0x6;
	v4 =	vsub.f32 $0.0e+00, v4;
	v8 =	vor.u32 v3, v8  }
0x45: {  	v13 =	vadd.s32 s15, v0;
	v7 =	vmul.f32 v7, v11;
	v6 =	vsub.f32 $0.0e+00, v6  }
0x46: {  	v10 =	vand.u32 $0x3F, v13;
	s14 =	simm.s32 $0x7;
	v5 =	vmul.f32 v5, v9;
	v4 =	vmul.f32 $1.442695020e+00, v4  }
0x47: {  	v9 =	vld.idx.msk [tilespmem:v12+s12+$0x0], $0xffff;
	v11 =	vadd.s32 s14, v0;
	v10 =	vor.u32 v3, v10;
	v6 =	vmul.f32 $1.442695020e+00, v6  }
0x48: {  	v7 =	vsub.f32 $0.0e+00, v7;
	(erf) = vpow2.f32 v4;
	v4 =	vand.u32 $0x3F, v11;
	v11 =	vld.idx.msk [tilespmem:v12+s13+$0x0], $0xffff  }
0x49: {  	(erf) = vpow2.f32 v6;
	v6 =	vld.idx.msk [tilespmem:v8+s12+$0x0], $0xffff  }
0x4a: {  	v5 =	vsub.f32 $0.0e+00, v5;
	v7 =	vmul.f32 $1.442695020e+00, v7;
	v4 =	vor.u32 v3, v4;
	v8 =	vld.idx.msk [tilespmem:v8+s13+$0x0], $0xffff;
	_ =	sdelay $0x1  }
0x4b: {  	s15 =	simm.s32 $0x8;
	v5 =	vmul.f32 $1.442695020e+00, v5;
	(erf) = vpow2.f32 v7;
	v7 =	vld.idx.msk [tilespmem:v10+s12+$0x0], $0xffff  }
0x4c: {  	v13 =	vadd.s32 s15, v0;
	s15 =	simm.s32 $0xA;
	v10 =	vld.idx.msk [tilespmem:v10+s13+$0x0], $0xffff  }
0x4d: {  	s1 =	simm.s32 $0xB;
	v14 =	vadd.s32 s15, v0;
	(erf) = vpow2.f32 v5  }
0x4e: {  	s14 =	simm.s32 $0x9;
	v5 =	vadd.s32 s1, v0;
	v9 =	vmul.f32 v11, v9;
	v11 =	vld.idx.msk [tilespmem:v4+s12+$0x0], $0xffff;
	v6 =	vmul.f32 v8, v6  }
0x4f: {  	v13 =	vand.u32 $0x3F, v13;
	v15 =	vadd.s32 s14, v0;
	v5 =	vand.u32 $0x3F, v5;
	v4 =	vld.idx.msk [tilespmem:v4+s13+$0x0], $0xffff  }
0x50: {  	v8 =	vor.u32 v3, v13;
	v9 =	vsub.f32 $0.0e+00, v9;
	v6 =	vsub.f32 $0.0e+00, v6;
	v16 =	vpop (erf)  }
0x51: {  	v13 =	vand.u32 $0x3F, v15;
	v7 =	vmul.f32 v10, v7;
	v15 =	vadd.f32 $1.000000000e+00, v16  }
0x52: {  	v10 =	vor.u32 v3, v13;
	v9 =	vmul.f32 $1.442695020e+00, v9;
	v16 =	vpop (erf);
	v6 =	vmul.f32 $1.442695020e+00, v6  }
0x53: {  	v7 =	vsub.f32 $0.0e+00, v7;
	v13 =	vadd.f32 $1.000000000e+00, v16;
	(erf) = vrcp.f32 v15  }
0x54: {  	v5 =	vor.u32 v3, v5;
	v4 =	vmul.f32 v4, v11;
	(erf) = vpow2.f32 v9  }
0x55: {  	v14 =	vand.u32 $0x3F, v14;
	v11 =	vld.idx.msk [tilespmem:v8+s12+$0x0], $0xffff;
	v7 =	vmul.f32 $1.442695020e+00, v7;
	v15 =	vpop (erf);
	(erf) = vrcp.f32 v13  }
0x56: {  	s15 =	simm.s32 $0xC;
	v13 =	vld.idx.msk [tilespmem:v8+s13+$0x0], $0xffff;
	v9 =	vadd.f32 $1.000000000e+00, v15;
	(erf) = vpow2.f32 v6;
	v6 =	vpop (erf);
	v15 =	vor.u32 v3, v14  }
0x57: {  	v16 =	vld.idx.msk [tilespmem:v10+s12+$0x0], $0xffff;
	v4 =	vsub.f32 $0.0e+00, v4;
	v8 =	vadd.s32 s15, v0;
	s15 =	simm.s32 $0xE;
	v6 =	vadd.f32 $1.000000000e+00, v6  }
0x58: {  	v17 =	vld.idx.msk [tilespmem:v10+s13+$0x0], $0xffff;
	(erf) = vrcp.f32 v9;
	v9 =	vand.u32 $0x3F, v8;
	v8 =	vadd.s32 s15, v0  }
0x59: {  	s14 =	simm.s32 $0xD;
	(erf) = vpow2.f32 v7;
	v14 =	vand.u32 $0x3F, v8;
	v8 =	vld.idx.msk [tilespmem:v5+s13+$0x0], $0xffff  }
0x5a: {  	v10 =	vadd.s32 s14, v0;
	v4 =	vmul.f32 $1.442695020e+00, v4;
	(erf) = vrcp.f32 v6;
	v6 =	vld.idx.msk [tilespmem:v5+s12+$0x0], $0xffff  }
0x5b: {  	v19 =	vmul.f32 v13, v11;
	v11 =	vld.idx.msk [tilespmem:v15+s12+$0x0], $0xffff  }
0x5c: {  	v12 =	vimm.f32 $0.0e+00;
	s1 =	simm.s32 $0xF;
	v18 =	vand.u32 $0x3F, v10;
	(erf) = vpow2.f32 v4;
	v13 =	vld.idx.msk [tilespmem:v15+s13+$0x0], $0xffff  }
0x5d: {  	v16 =	vmul.f32 v17, v16;
	v7 =	vadd.s32 s1, v0;
	v9 =	vor.u32 v3, v9;
	v10 =	vpop (erf)  }
0x5e: {  	v7 =	vand.u32 $0x3F, v7;
	v4 =	vor.u32 v3, v14;
	v14 =	vpop (erf);
	v10 =	vadd.f32 v10, v12  }
0x5f: {  	s1 =	simm.s32 $0x10;
	v5 =	vor.u32 v3, v7;
	v7 =	vor.u32 v3, v18;
	v15 =	vsub.f32 $0.0e+00, v19;
	v12 =	vpop (erf)  }
.LBB2_4:
0x60: {  	p0 =	sne.s32 s1, $0x3C;
	v17 =	vmul.f32 v8, v6;
	v6 =	vadd.f32 $1.000000000e+00, v14;
	v8 =	vpop (erf);
	v10 =	vadd.f32 v12, v10  }
0x61: {  	v11 =	vmul.f32 v13, v11;
	v19 =	vmul.f32 $1.442695020e+00, v15;
	v14 =	vsub.f32 $0.0e+00, v16;
	v13 =	vpop (erf)  }
0x62: {  	v8 =	vadd.f32 $1.000000000e+00, v8;
	v15 =	vld.idx.msk [tilespmem:v9+s12+$0x0], $0xffff;
	(erf) = vrcp.f32 v6;
	v16 =	vpop (erf);
	v10 =	vadd.f32 v13, v10  }
0x63: {  	v11 =	vsub.f32 $0.0e+00, v11;
	v18 =	vld.idx.msk [tilespmem:v9+s13+$0x0], $0xffff;
	v14 =	vmul.f32 $1.442695020e+00, v14;
	(erf) = vpow2.f32 v19;
	v12 =	vpop (erf)  }
0x64: {  	v13 =	vadd.f32 $1.000000000e+00, v16;
	v6 =	vld.idx.msk [tilespmem:v5+s12+$0x0], $0xffff;
	(erf) = vrcp.f32 v8;
	v10 =	vadd.f32 v12, v10  }
0x65: {  	v8 =	vld.idx.msk [tilespmem:v5+s13+$0x0], $0xffff;
	v5 =	vmul.f32 $1.442695020e+00, v11;
	(erf) = vpow2.f32 v14;
	v9 =	vpop (erf)  }
0x66: {  	v14 =	vsub.f32 $0.0e+00, v17;
	v12 =	vld.idx.msk [tilespmem:v7+s12+$0x0], $0xffff;
	v9 =	vadd.f32 $1.000000000e+00, v9;
	(erf) = vrcp.f32 v13  }
0x67: {  	s0 =	sadd.s32 $0x3, s1;
	v13 =	vadd.s32 s1, v0;
	v16 =	vld.idx.msk [tilespmem:v7+s13+$0x0], $0xffff;
	(erf) = vpow2.f32 v5  }
0x68: {  	s14 =	sadd.s32 $0x1, s1;
	s15 =	sadd.s32 $0x2, s1;
	v5 =	vadd.s32 s0, v0;
	v7 =	vmul.f32 $1.442695020e+00, v14;
	v11 =	vld.idx.msk [tilespmem:v4+s12+$0x0], $0xffff;
	(erf) = vrcp.f32 v9  }
.Ltmp0:
0x69: {  	v19 =	vadd.s32 s15, v0;
	v14 =	vadd.s32 s14, v0;
	v9 =	vand.u32 $0x3F, v13;
	v13 =	vld.idx.msk [tilespmem:v4+s13+$0x0], $0xffff;
	(pc) =	sbr.rel @p0 .LBB2_4-.Ltmp0, $4  }
0x6a: {  	v5 =	vand.u32 $0x3F, v5;
	v4 =	vand.u32 $0x3F, v19;
	(erf) = vpow2.f32 v7  }
0x6b: {  	v15 =	vmul.f32 v18, v15;
	v9 =	vor.u32 v3, v9;
	v7 =	vand.u32 $0x3F, v14;
	v17 =	vpop (erf)  }
0x6c: {  	v5 =	vor.u32 v3, v5;
	v4 =	vor.u32 v3, v4;
	v14 =	vpop (erf);
	v10 =	vadd.f32 v17, v10  }
0x6d: {  	s1 =	sadd.s32 $0x4, s1;
	v15 =	vsub.f32 $0.0e+00, v15;
	v7 =	vor.u32 v3, v7;
	v16 =	vmul.f32 v16, v12;
	v12 =	vpop (erf)  }
0x6e: {  	_ = 	snop  }
0x6f: {  	v3 =	vadd.f32 $1.000000000e+00, v14  }
0x70: {  	v28 =	vpop (erf);
	v11 =	vmul.f32 v13, v11;
	v15 =	vmul.f32 $1.442695020e+00, v15;
	v16 =	vsub.f32 $0.0e+00, v16  }
0x71: {  	v6 =	vmul.f32 v8, v6;
	v29 =	vpop (erf);
	v30 =	vadd.f32 $1.000000000e+00, v28;
	(erf) = vrcp.f32 v3  }
0x72: {  	v32 =	vld.idx.msk [tilespmem:v9+s13+$0x0], $0xffff;
	v31 =	vpop (erf);
	v11 =	vsub.f32 $0.0e+00, v11;
	v16 =	vmul.f32 $1.442695020e+00, v16;
	(erf) = vpow2.f32 v15  }
0x73: {  	v34 =	vld.idx.msk [tilespmem:v5+s12+$0x0], $0xffff;
	v33 =	vpop (erf);
	v14 =	vadd.f32 $1.000000000e+00, v31;
	(erf) = vrcp.f32 v30  }
0x74: {  	v3 =	vld.idx.msk [tilespmem:v9+s12+$0x0], $0xffff;
	v6 =	vsub.f32 $0.0e+00, v6;
	v11 =	vmul.f32 $1.442695020e+00, v11;
	(erf) = vpow2.f32 v16;
	v35 =	vpop (erf)  }
0x75: {  	v36 =	vld.idx.msk [tilespmem:v7+s12+$0x0], $0xffff;
	(erf) = vrcp.f32 v14;
	v16 =	vadd.f32 $1.000000000e+00, v35  }
0x76: {  	v37 =	vld.idx.msk [tilespmem:v7+s13+$0x0], $0xffff;
	v6 =	vmul.f32 $1.442695020e+00, v6;
	(erf) = vpow2.f32 v11  }
0x77: {  	v38 =	vld.idx.msk [tilespmem:v4+s12+$0x0], $0xffff;
	(erf) = vrcp.f32 v16  }
0x78: {  	v39 =	vld.idx.msk [tilespmem:v4+s13+$0x0], $0xffff;
	(erf) = vpow2.f32 v6  }
0x79: {  	v40 =	vld.idx.msk [tilespmem:v5+s13+$0x0], $0xffff;
	v3 =	vmul.f32 v32, v3  }
0x7a: {  	v41 =	vpop (erf)  }
0x7b: {  	v7 =	vmul.f32 v37, v36;
	v3 =	vsub.f32 $0.0e+00, v3;
	v42 =	vpop (erf)  }
0x7c: {  	v10 =	vadd.f32 v12, v10;
	v43 =	vpop (erf);
	v9 =	vadd.f32 $1.000000000e+00, v42  }
0x7d: {  	v4 =	vmul.f32 v39, v38;
	v7 =	vsub.f32 $0.0e+00, v7;
	v3 =	vmul.f32 $1.442695020e+00, v3;
	v44 =	vpop (erf)  }
0x7e: {  	v5 =	vmul.f32 v40, v34;
	v45 =	vpop (erf);
	v46 =	vadd.f32 $1.000000000e+00, v44;
	(erf) = vrcp.f32 v9  }
0x7f: {  	v4 =	vsub.f32 $0.0e+00, v4;
	v7 =	vmul.f32 $1.442695020e+00, v7;
	v47 =	vpop (erf);
	(erf) = vpow2.f32 v3  }
0x80: {  	v5 =	vsub.f32 $0.0e+00, v5;
	v48 =	vpop (erf);
	v9 =	vadd.f32 $1.000000000e+00, v47;
	(erf) = vrcp.f32 v46  }
0x81: {  	v4 =	vmul.f32 $1.442695020e+00, v4;
	v3 =	vadd.f32 v29, v10;
	(erf) = vpow2.f32 v7;
	v49 =	vpop (erf)  }
0x82: {  	v7 =	vadd.f32 $1.000000000e+00, v49;
	(erf) = vrcp.f32 v9  }
0x83: {  	v50 =	vmul.f32 $1.442695020e+00, v5;
	v3 =	vadd.f32 v33, v3;
	(erf) = vpow2.f32 v4  }
0x84: {  	(erf) = vrcp.f32 v7  }
0x85: {  	v3 =	vadd.f32 v41, v3;
	(erf) = vpow2.f32 v50;
	_ =	sdelay $0x1  }
0x86: {  	v3 =	vadd.f32 v43, v3;
	v51 =	vpop (erf)  }
0x87: {  	v52 =	vpop (erf)  }
0x88: {  	v3 =	vadd.f32 v45, v3;
	v53 =	vpop (erf);
	v5 =	vadd.f32 $1.000000000e+00, v52  }
0x89: {  	v54 =	vpop (erf)  }
0x8a: {  	v3 =	vadd.f32 v48, v3;
	v55 =	vpop (erf);
	v7 =	vadd.f32 $1.000000000e+00, v54;
	(erf) = vrcp.f32 v5  }
0x8b: {  	v56 =	vpop (erf)  }
0x8c: {  	v3 =	vadd.f32 v51, v3;
	v57 =	vpop (erf);
	v5 =	vadd.f32 $1.000000000e+00, v56;
	(erf) = vrcp.f32 v7  }
0x8d: {  	v58 =	vpop (erf)  }
0x8e: {  	v3 =	vadd.f32 v53, v3;
	v59 =	vadd.f32 $1.000000000e+00, v58;
	(erf) = vrcp.f32 v5;
	_ =	sdelay $0x1  }
0x8f: {  	v3 =	vadd.f32 v55, v3;
	(erf) = vrcp.f32 v59;
	_ =	sdelay $0x1  }
0x90: {  	v3 =	vadd.f32 v57, v3  }
0x91: {  	v60 =	vpop (erf)  }
0x92: {  	v3 =	vadd.f32 v60, v3  }
0x93: {  	v61 =	vpop (erf)  }
0x94: {  	s30 =	sadd.s32 $0x1, s30;
	v3 =	vadd.f32 v61, v3  }
0x95: {  	p0 =	sne.s32 s30, $0x10;
	v62 =	vpop (erf)  }
.Ltmp1:
0x96: {  	v3 =	vadd.f32 v62, v3;
	(pc) =	sbr.rel @p0 .LBB2_3-.Ltmp1, $3  }
0x97: {  	v63 =	vpop (erf)  }
0x98: {  	v3 =	vadd.f32 v63, v3;
	_ =	sdelay $0x1  }
0x99: {  	[tilespmem:v2+s31+$0x0 ss:$0x1] =	vst.idx.msk $0xffff, v3  }
0x9a: {  	p0 =	seq.s32 s25, $0x13  }
0x9b: {  	s0 =	sadd.s32 @!p0 $0x200, s28;
	s1 =	simm.s32 @!p0 $0x80;
	s14 =	simm.s32 @!p0 $0x5000  }
0x9c: {  	[tilespmem:s14], [sflag:$0x1] =	stream.indirect.gather @!p0 [hbm4b:s3+s1], $0x40, s0, s1, $0xb8;
	[tilespmem:$0x17800] =	vst v63  }
0x9d: {  	s0 =	sadd.s32 @!p0 $0x2A00, s28;
	s14 =	simm.s32 @!p0 $0x9000  }
0x9e: {  	[tilespmem:s14], [sflag:$0x1] =	stream.indirect.gather @!p0 [hbm4b:s4+s1], $0x40, s0, s1, $0xb8;
	[tilespmem:$0x17800] =	vst v63  }
0x9f: {  	s0 =	sadd.s32 @!p0 $0x280, s28;
	s14 =	simm.s32 @!p0 $0x7000  }
0xa0: {  	[tilespmem:s14], [sflag:$0x1] =	stream.indirect.gather @!p0 [hbm4b:s3+s1], $0x40, s0, s1, $0xb8;
	[tilespmem:$0x17800] =	vst v63  }
0xa1: {  	s0 =	sadd.s32 @!p0 $0x2A80, s28;
	s14 =	simm.s32 @!p0 $0xB000  }
0xa2: {  	[tilespmem:s14], [sflag:$0x1] =	stream.indirect.gather @!p0 [hbm4b:s4+s1], $0x40, s0, s1, $0xb8;
	[tilespmem:$0x17800] =	vst v63  }
0xa3: {  	_ =	swait.ge [sflag:s22], $0x2000  }
0xa4: {  	[sflag:s22] =	ssyncset.done $0x0  }
0xa5: {  	[sflag:s22] =	ssyncadd.s32 $0xFFFFE000  }
0xa6: {  	_ =	swait.ge [sflag:s22], $0x2000  }
0xa7: {  	[sflag:s22] =	ssyncset.done $0x0  }
0xa8: {  	[sflag:s22] =	ssyncadd.s32 $0xFFFFE000  }
0xa9: {  	_ =	swait.ge [sflag:s22], $0x2000  }
0xaa: {  	[sflag:s22] =	ssyncset.done $0x0  }
0xab: {  	[sflag:s22] =	ssyncadd.s32 $0xFFFFE000  }
0xac: {  	_ =	swait.ge [sflag:s22], $0x2000  }
0xad: {  	s31 =	sadd.s32 $0x15000, s26;
	[sflag:s22] =	ssyncset.done $0x0  }
0xae: {  	s26 =	simm.s32 $0x0;
	v2 =	vmov s31;
	s28 =	simm.s32 $0x0;
	[sflag:s22] =	ssyncadd.s32 $0xFFFFE000  }
.LBB2_7:
0xaf: {  	s29 =	sshll.u32 s28, $0x4  }
0xb0: {  	v3 =	vmov s29  }
0xb1: {  	v4 =	vadd.s32 s26, v0;
	v3 =	vshll.u32 v3, $0x6  }
0xb2: {  	s1 =	simm.s32 $0x1;
	v4 =	vand.u32 $0x3F, v4;
	v3 =	vor.u32 v1, v3  }
0xb3: {  	v6 =	vadd.s32 s1, v0;
	v4 =	vor.u32 v3, v4  }
0xb4: {  	s0 =	simm.s32 $0x3;
	v6 =	vand.u32 $0x3F, v6  }
0xb5: {  	s14 =	simm.s32 $0x2;
	v5 =	vadd.s32 s0, v0;
	v6 =	vor.u32 v3, v6  }
0xb6: {  	v7 =	vadd.s32 s14, v0;
	v5 =	vand.u32 $0x3F, v5  }
0xb7: {  	v7 =	vand.u32 $0x3F, v7;
	v5 =	vor.u32 v3, v5  }
0xb8: {  	v7 =	vor.u32 v3, v7;
	v8 =	vld.idx.msk [tilespmem:v4+s17+$0x0], $0xffff  }
0xb9: {  	v4 =	vld.idx.msk [tilespmem:v4+s18+$0x0], $0xffff  }
0xba: {  	v10 =	vld.idx.msk [tilespmem:v6+s17+$0x0], $0xffff  }
0xbb: {  	v6 =	vld.idx.msk [tilespmem:v6+s18+$0x0], $0xffff  }
0xbc: {  	s15 =	simm.s32 $0x4;
	v9 =	vld.idx.msk [tilespmem:v5+s17+$0x0], $0xffff  }
0xbd: {  	v12 =	vadd.s32 s15, v0;
	v11 =	vld.idx.msk [tilespmem:v7+s17+$0x0], $0xffff  }
0xbe: {  	s30 =	simm.s32 $0x5;
	v12 =	vand.u32 $0x3F, v12;
	v7 =	vld.idx.msk [tilespmem:v7+s18+$0x0], $0xffff  }
0xbf: {  	v12 =	vor.u32 v3, v12;
	v5 =	vld.idx.msk [tilespmem:v5+s18+$0x0], $0xffff;
	v4 =	vmul.f32 v4, v8;
	v8 =	vadd.s32 s30, v0  }
0xc0: {  	s31 =	simm.s32 $0x6;
	v6 =	vmul.f32 v6, v10;
	v8 =	vand.u32 $0x3F, v8  }
0xc1: {  	v13 =	vadd.s32 s31, v0;
	v4 =	vsub.f32 $0.0e+00, v4;
	v8 =	vor.u32 v3, v8  }
0xc2: {  	s14 =	simm.s32 $0x7;
	v10 =	vand.u32 $0x3F, v13;
	v6 =	vsub.f32 $0.0e+00, v6  }
0xc3: {  	v7 =	vmul.f32 v7, v11;
	v11 =	vadd.s32 s14, v0;
	v4 =	vmul.f32 $1.442695020e+00, v4  }
0xc4: {  	v5 =	vmul.f32 v5, v9;
	v9 =	vld.idx.msk [tilespmem:v12+s17+$0x0], $0xffff;
	v10 =	vor.u32 v3, v10;
	v6 =	vmul.f32 $1.442695020e+00, v6  }
0xc5: {  	v7 =	vsub.f32 $0.0e+00, v7;
	(erf) = vpow2.f32 v4;
	v4 =	vand.u32 $0x3F, v11;
	v11 =	vld.idx.msk [tilespmem:v12+s18+$0x0], $0xffff  }
0xc6: {  	(erf) = vpow2.f32 v6;
	v6 =	vld.idx.msk [tilespmem:v8+s17+$0x0], $0xffff  }
0xc7: {  	v5 =	vsub.f32 $0.0e+00, v5;
	v7 =	vmul.f32 $1.442695020e+00, v7;
	v4 =	vor.u32 v3, v4;
	v8 =	vld.idx.msk [tilespmem:v8+s18+$0x0], $0xffff;
	_ =	sdelay $0x1  }
0xc8: {  	v5 =	vmul.f32 $1.442695020e+00, v5;
	(erf) = vpow2.f32 v7;
	v7 =	vld.idx.msk [tilespmem:v10+s17+$0x0], $0xffff  }
0xc9: {  	s15 =	simm.s32 $0x8;
	s31 =	simm.s32 $0xA;
	v10 =	vld.idx.msk [tilespmem:v10+s18+$0x0], $0xffff  }
0xca: {  	v14 =	vadd.s32 s31, v0;
	v13 =	vadd.s32 s15, v0;
	s30 =	simm.s32 $0xB;
	(erf) = vpow2.f32 v5  }
0xcb: {  	s14 =	simm.s32 $0x9;
	v5 =	vadd.s32 s30, v0;
	v9 =	vmul.f32 v11, v9;
	v11 =	vld.idx.msk [tilespmem:v4+s17+$0x0], $0xffff;
	v6 =	vmul.f32 v8, v6  }
0xcc: {  	v13 =	vand.u32 $0x3F, v13;
	v15 =	vadd.s32 s14, v0;
	v5 =	vand.u32 $0x3F, v5;
	v4 =	vld.idx.msk [tilespmem:v4+s18+$0x0], $0xffff  }
0xcd: {  	v8 =	vor.u32 v3, v13;
	v9 =	vsub.f32 $0.0e+00, v9;
	v6 =	vsub.f32 $0.0e+00, v6;
	v16 =	vpop (erf)  }
0xce: {  	v13 =	vand.u32 $0x3F, v15;
	v7 =	vmul.f32 v10, v7;
	v15 =	vadd.f32 $1.000000000e+00, v16  }
0xcf: {  	v10 =	vor.u32 v3, v13;
	v9 =	vmul.f32 $1.442695020e+00, v9;
	v16 =	vpop (erf);
	v6 =	vmul.f32 $1.442695020e+00, v6  }
0xd0: {  	v7 =	vsub.f32 $0.0e+00, v7;
	v13 =	vadd.f32 $1.000000000e+00, v16;
	(erf) = vrcp.f32 v15  }
0xd1: {  	v5 =	vor.u32 v3, v5;
	v4 =	vmul.f32 v4, v11;
	(erf) = vpow2.f32 v9  }
0xd2: {  	v14 =	vand.u32 $0x3F, v14;
	v11 =	vld.idx.msk [tilespmem:v8+s17+$0x0], $0xffff;
	v7 =	vmul.f32 $1.442695020e+00, v7;
	v15 =	vpop (erf);
	(erf) = vrcp.f32 v13  }
0xd3: {  	s14 =	simm.s32 $0xC;
	v13 =	vld.idx.msk [tilespmem:v8+s18+$0x0], $0xffff;
	v9 =	vadd.f32 $1.000000000e+00, v15;
	(erf) = vpow2.f32 v6;
	v6 =	vpop (erf);
	v15 =	vor.u32 v3, v14  }
0xd4: {  	s31 =	simm.s32 $0xE;
	v16 =	vld.idx.msk [tilespmem:v10+s17+$0x0], $0xffff;
	v4 =	vsub.f32 $0.0e+00, v4;
	v8 =	vadd.s32 s14, v0;
	v6 =	vadd.f32 $1.000000000e+00, v6  }
0xd5: {  	v17 =	vld.idx.msk [tilespmem:v10+s18+$0x0], $0xffff;
	(erf) = vrcp.f32 v9;
	v9 =	vand.u32 $0x3F, v8;
	v8 =	vadd.s32 s31, v0  }
0xd6: {  	s30 =	simm.s32 $0xD;
	(erf) = vpow2.f32 v7;
	v14 =	vand.u32 $0x3F, v8;
	v8 =	vld.idx.msk [tilespmem:v5+s18+$0x0], $0xffff  }
0xd7: {  	v10 =	vadd.s32 s30, v0;
	v4 =	vmul.f32 $1.442695020e+00, v4;
	(erf) = vrcp.f32 v6;
	v6 =	vld.idx.msk [tilespmem:v5+s17+$0x0], $0xffff  }
0xd8: {  	v19 =	vmul.f32 v13, v11;
	v11 =	vld.idx.msk [tilespmem:v15+s17+$0x0], $0xffff  }
0xd9: {  	s15 =	simm.s32 $0xF;
	v12 =	vimm.f32 $0.0e+00;
	v18 =	vand.u32 $0x3F, v10;
	(erf) = vpow2.f32 v4;
	v13 =	vld.idx.msk [tilespmem:v15+s18+$0x0], $0xffff  }
0xda: {  	v16 =	vmul.f32 v17, v16;
	v7 =	vadd.s32 s15, v0;
	v9 =	vor.u32 v3, v9;
	v10 =	vpop (erf)  }
0xdb: {  	v7 =	vand.u32 $0x3F, v7;
	v4 =	vor.u32 v3, v14;
	v14 =	vpop (erf);
	v10 =	vadd.f32 v10, v12  }
0xdc: {  	s1 =	simm.s32 $0x10;
	v5 =	vor.u32 v3, v7;
	v7 =	vor.u32 v3, v18;
	v15 =	vsub.f32 $0.0e+00, v19;
	v12 =	vpop (erf)  }
.LBB2_8:
0xdd: {  	p0 =	sne.s32 s1, $0x3C;
	v17 =	vmul.f32 v8, v6;
	v6 =	vadd.f32 $1.000000000e+00, v14;
	v8 =	vpop (erf);
	v10 =	vadd.f32 v12, v10  }
0xde: {  	v11 =	vmul.f32 v13, v11;
	v19 =	vmul.f32 $1.442695020e+00, v15;
	v14 =	vsub.f32 $0.0e+00, v16;
	v13 =	vpop (erf)  }
0xdf: {  	v8 =	vadd.f32 $1.000000000e+00, v8;
	v15 =	vld.idx.msk [tilespmem:v9+s17+$0x0], $0xffff;
	(erf) = vrcp.f32 v6;
	v16 =	vpop (erf);
	v10 =	vadd.f32 v13, v10  }
0xe0: {  	v11 =	vsub.f32 $0.0e+00, v11;
	v18 =	vld.idx.msk [tilespmem:v9+s18+$0x0], $0xffff;
	v14 =	vmul.f32 $1.442695020e+00, v14;
	(erf) = vpow2.f32 v19;
	v12 =	vpop (erf)  }
0xe1: {  	v13 =	vadd.f32 $1.000000000e+00, v16;
	v6 =	vld.idx.msk [tilespmem:v5+s17+$0x0], $0xffff;
	(erf) = vrcp.f32 v8;
	v10 =	vadd.f32 v12, v10  }
0xe2: {  	v8 =	vld.idx.msk [tilespmem:v5+s18+$0x0], $0xffff;
	v5 =	vmul.f32 $1.442695020e+00, v11;
	(erf) = vpow2.f32 v14;
	v9 =	vpop (erf)  }
0xe3: {  	v14 =	vsub.f32 $0.0e+00, v17;
	v12 =	vld.idx.msk [tilespmem:v7+s17+$0x0], $0xffff;
	v9 =	vadd.f32 $1.000000000e+00, v9;
	(erf) = vrcp.f32 v13  }
0xe4: {  	s0 =	sadd.s32 $0x3, s1;
	v13 =	vadd.s32 s1, v0;
	v16 =	vld.idx.msk [tilespmem:v7+s18+$0x0], $0xffff;
	(erf) = vpow2.f32 v5  }
0xe5: {  	s14 =	sadd.s32 $0x1, s1;
	s15 =	sadd.s32 $0x2, s1;
	v5 =	vadd.s32 s0, v0;
	v7 =	vmul.f32 $1.442695020e+00, v14;
	v11 =	vld.idx.msk [tilespmem:v4+s17+$0x0], $0xffff;
	(erf) = vrcp.f32 v9  }
.Ltmp2:
0xe6: {  	v19 =	vadd.s32 s15, v0;
	v14 =	vadd.s32 s14, v0;
	v9 =	vand.u32 $0x3F, v13;
	v13 =	vld.idx.msk [tilespmem:v4+s18+$0x0], $0xffff;
	(pc) =	sbr.rel @p0 .LBB2_8-.Ltmp2, $4  }
0xe7: {  	v5 =	vand.u32 $0x3F, v5;
	v4 =	vand.u32 $0x3F, v19;
	(erf) = vpow2.f32 v7  }
0xe8: {  	v15 =	vmul.f32 v18, v15;
	v9 =	vor.u32 v3, v9;
	v7 =	vand.u32 $0x3F, v14;
	v17 =	vpop (erf)  }
0xe9: {  	v5 =	vor.u32 v3, v5;
	v4 =	vor.u32 v3, v4;
	v14 =	vpop (erf);
	v10 =	vadd.f32 v17, v10  }
0xea: {  	s1 =	sadd.s32 $0x4, s1;
	v15 =	vsub.f32 $0.0e+00, v15;
	v7 =	vor.u32 v3, v7;
	v16 =	vmul.f32 v16, v12;
	v12 =	vpop (erf)  }
0xeb: {  	_ = 	snop  }
0xec: {  	v3 =	vadd.f32 $1.000000000e+00, v14  }
0xed: {  	v28 =	vpop (erf);
	v11 =	vmul.f32 v13, v11;
	v15 =	vmul.f32 $1.442695020e+00, v15;
	v16 =	vsub.f32 $0.0e+00, v16  }
0xee: {  	v6 =	vmul.f32 v8, v6;
	v29 =	vpop (erf);
	v30 =	vadd.f32 $1.000000000e+00, v28;
	(erf) = vrcp.f32 v3  }
0xef: {  	v32 =	vld.idx.msk [tilespmem:v9+s18+$0x0], $0xffff;
	v31 =	vpop (erf);
	v11 =	vsub.f32 $0.0e+00, v11;
	v16 =	vmul.f32 $1.442695020e+00, v16;
	(erf) = vpow2.f32 v15  }
0xf0: {  	v34 =	vld.idx.msk [tilespmem:v5+s17+$0x0], $0xffff;
	v33 =	vpop (erf);
	v14 =	vadd.f32 $1.000000000e+00, v31;
	(erf) = vrcp.f32 v30  }
0xf1: {  	v3 =	vld.idx.msk [tilespmem:v9+s17+$0x0], $0xffff;
	v6 =	vsub.f32 $0.0e+00, v6;
	v11 =	vmul.f32 $1.442695020e+00, v11;
	(erf) = vpow2.f32 v16;
	v35 =	vpop (erf)  }
0xf2: {  	v36 =	vld.idx.msk [tilespmem:v7+s17+$0x0], $0xffff;
	(erf) = vrcp.f32 v14;
	v16 =	vadd.f32 $1.000000000e+00, v35  }
0xf3: {  	v37 =	vld.idx.msk [tilespmem:v7+s18+$0x0], $0xffff;
	v6 =	vmul.f32 $1.442695020e+00, v6;
	(erf) = vpow2.f32 v11  }
0xf4: {  	v38 =	vld.idx.msk [tilespmem:v4+s17+$0x0], $0xffff;
	(erf) = vrcp.f32 v16  }
0xf5: {  	v39 =	vld.idx.msk [tilespmem:v4+s18+$0x0], $0xffff;
	(erf) = vpow2.f32 v6  }
0xf6: {  	v40 =	vld.idx.msk [tilespmem:v5+s18+$0x0], $0xffff;
	v3 =	vmul.f32 v32, v3  }
0xf7: {  	v41 =	vpop (erf)  }
0xf8: {  	v7 =	vmul.f32 v37, v36;
	v3 =	vsub.f32 $0.0e+00, v3;
	v42 =	vpop (erf)  }
0xf9: {  	v10 =	vadd.f32 v12, v10;
	v43 =	vpop (erf);
	v9 =	vadd.f32 $1.000000000e+00, v42  }
0xfa: {  	v4 =	vmul.f32 v39, v38;
	v7 =	vsub.f32 $0.0e+00, v7;
	v3 =	vmul.f32 $1.442695020e+00, v3;
	v44 =	vpop (erf)  }
0xfb: {  	v5 =	vmul.f32 v40, v34;
	v45 =	vpop (erf);
	v46 =	vadd.f32 $1.000000000e+00, v44;
	(erf) = vrcp.f32 v9  }
0xfc: {  	v4 =	vsub.f32 $0.0e+00, v4;
	v7 =	vmul.f32 $1.442695020e+00, v7;
	v47 =	vpop (erf);
	(erf) = vpow2.f32 v3  }
0xfd: {  	v5 =	vsub.f32 $0.0e+00, v5;
	v48 =	vpop (erf);
	v9 =	vadd.f32 $1.000000000e+00, v47;
	(erf) = vrcp.f32 v46  }
0xfe: {  	v4 =	vmul.f32 $1.442695020e+00, v4;
	v3 =	vadd.f32 v29, v10;
	(erf) = vpow2.f32 v7;
	v49 =	vpop (erf)  }
0xff: {  	v7 =	vadd.f32 $1.000000000e+00, v49;
	(erf) = vrcp.f32 v9  }
0x100: {  	v50 =	vmul.f32 $1.442695020e+00, v5;
	v3 =	vadd.f32 v33, v3;
	(erf) = vpow2.f32 v4  }
0x101: {  	(erf) = vrcp.f32 v7  }
0x102: {  	v3 =	vadd.f32 v41, v3;
	(erf) = vpow2.f32 v50;
	_ =	sdelay $0x1  }
0x103: {  	v3 =	vadd.f32 v43, v3;
	v51 =	vpop (erf)  }
0x104: {  	v52 =	vpop (erf)  }
0x105: {  	v3 =	vadd.f32 v45, v3;
	v53 =	vpop (erf);
	v5 =	vadd.f32 $1.000000000e+00, v52  }
0x106: {  	v54 =	vpop (erf)  }
0x107: {  	v3 =	vadd.f32 v48, v3;
	v55 =	vpop (erf);
	v7 =	vadd.f32 $1.000000000e+00, v54;
	(erf) = vrcp.f32 v5  }
0x108: {  	v56 =	vpop (erf)  }
0x109: {  	v3 =	vadd.f32 v51, v3;
	v57 =	vpop (erf);
	v5 =	vadd.f32 $1.000000000e+00, v56;
	(erf) = vrcp.f32 v7  }
0x10a: {  	v58 =	vpop (erf)  }
0x10b: {  	v3 =	vadd.f32 v53, v3;
	v59 =	vadd.f32 $1.000000000e+00, v58;
	(erf) = vrcp.f32 v5;
	_ =	sdelay $0x1  }
0x10c: {  	v3 =	vadd.f32 v55, v3;
	(erf) = vrcp.f32 v59;
	_ =	sdelay $0x1  }
0x10d: {  	v3 =	vadd.f32 v57, v3  }
0x10e: {  	v60 =	vpop (erf)  }
0x10f: {  	v3 =	vadd.f32 v60, v3  }
0x110: {  	v61 =	vpop (erf)  }
0x111: {  	s28 =	sadd.s32 $0x1, s28;
	v3 =	vadd.f32 v61, v3  }
0x112: {  	p0 =	sne.s32 s28, $0x10;
	v62 =	vpop (erf)  }
.Ltmp3:
0x113: {  	v3 =	vadd.f32 v62, v3;
	(pc) =	sbr.rel @p0 .LBB2_7-.Ltmp3, $3  }
0x114: {  	v63 =	vpop (erf)  }
0x115: {  	v3 =	vadd.f32 v63, v3;
	_ =	sdelay $0x1  }
0x116: {  	[tilespmem:v2+s29+$0x0 ss:$0x1] =	vst.idx.msk $0xffff, v3  }
0x117: {  	s25 =	sadd.s32 $0x1, s25  }
0x118: {  	p0 =	sne.s32 s25, $0x14  }
.Ltmp4:
0x119: {  	_ = 	snop;
	(pc) =	sbr.rel @p0 .LBB2_2-.Ltmp4, $1  }
0x11a: {  	_ =	sdelay $0x3  }
0x11b: {  	s24 =	sadd.s32 $0x1, s24  }
0x11c: {  	p0 =	sne.s32 s24, s8  }
.Ltmp5:
0x11d: {  	_ = 	snop;
	(pc) =	sbr.rel @p0 .LBB2_1-.Ltmp5, $4  }
0x11e: {  	[hbm4b:s7+s2] =	stream.linear.scatter [tilespmem:s23], [sflag:$0x3], $0x2800, $0x38;
	[tilespmem:$0x17800] =	vst v63  }
0x11f: {  	_ =	swait.ge [sflag:s9], $0x2800  }
0x120: {  	[sflag:s9] =	ssyncset.done $0x0  }
0x121: {  	[sflag:s9] =	ssyncadd.s32 $0xFFFFD800  }
0x122: {  	_ =	sfence.sel $0x180000  }
0x123: {  	[bflag:$0x0] =	sbarrier.arrive $0xFFFF  }
0x124: {  	_ =	strace $0x90000047  }
0x125: {  	s0 =	stileid.u32;
	[bflag:$0x2] =	sbarrier.arrive $0xFFFF  }
0x126: {  	p0 =	sne.s32 s0, $0x0;
	s0 =	rddreg [dreg:$0x2]  }
0x127: {  	s0 =	sadd.s32 @!p0 $0x100000, s0  }
0x128: {  	[sflag:s0] =	ssyncadd.tile.s32 @!p0 $0x1;
	_ =	shalt  }
.Lfunc_end2:
_tile_overlayer_lowered:
.L_overlay_start_2:
0x129: {  	(tag) =	ssettag $0x2  }
0x12a: {  	s0 =	rddreg [dreg:$0x0];
	s2 =	stileid.u32  }
0x12b: {  	s1 =	rddreg [dreg:$0x1];
	p0 =	sne.s32 s2, $0x0  }
0x12c: {  	s3 =	rddreg [dreg:$0x2];
	[bflag:$0x3] =	sbarrier.arrive $0xFFFF;
	s2 =	simm.s32 @!p0 $0x1C03  }
0x12d: {  	[timem:s3], [sflag:s2] =	dma.local @!p0 [hbm:s0], s1  }
0x12e: {  	s0 =	simm.s32 @!p0 $0x3  }
0x12f: {  	_ =	swait.ge @!p0 [sflag:s0], s1  }
0x130: {  	s1 =	ssub.s32 @!p0 $0x0, s1;
	[sflag:s0] =	ssyncset.done @!p0 $0x0  }
0x131: {  	[sflag:s0] =	ssyncadd.s32 @!p0 s1  }
0x132: {  	[bflag:$0x3] =	sbarrier.arrive $0xFFFF  }
0x133: {  	_ =	shalt  }

</sc_bundles>
